<compile_context>
chip_gen: v7x
topology: tpu7x:2x2x1
jax: 0.10.2.dev20260603
libtpu: 0.0.44.dev20260713+nightly
codegen_flags: <defaults>
</compile_context>

<pallas_src>
import jax
import jax.numpy as jnp
from jax import lax
from jax.experimental import pallas as pl
from jax.experimental.pallas import tpu as pltpu
from jax.experimental.pallas import tpu_sc as plsc

N_EMB = 1000000
EMB_DIM = 32
EMB_SCALE = 10.0

N_B = 16384
N_S = 50
LANES = 16
BT = 128
N_BT = N_B // BT
NUM_WORKERS = 32
BT_PER_W = N_BT // NUM_WORKERS
XBLK = BT * N_S
NGRP = BT // LANES
SB = 5
GB = SB * BT
NBATCH = N_S // SB
OUTW = 4 * 8 * BT


def _sc_kernel(x_hbm, table_hbm, out_hbm,
               x_blk, idx_sm, rows_a, rows_b, out_a, out_b,
               sem_ga, sem_gb, sem_oa, sem_ob):
    cid = lax.axis_index("c")
    sid = lax.axis_index("s")
    wid = sid * 2 + cid

    lane = lax.iota(jnp.int32, LANES)
    lane50 = lane * N_S
    lane128 = lane * BT

    def fire(k, rows_v, sem):
        return pltpu.async_copy(
            table_hbm.at[idx_sm.at[pl.ds(k * GB, GB)]], rows_v, sem)

    def wait_g(k, rows_v, sem):
        pltpu.make_async_copy(
            table_hbm.at[idx_sm.at[pl.ds(k * GB, GB)]], rows_v, sem).wait()

    @pl.loop(0, BT_PER_W)
    def _bt(j):
        tc = wid * BT_PER_W + j
        pltpu.sync_copy(x_hbm.at[pl.ds(tc * XBLK, XBLK)], x_blk)

        @plsc.parallel_loop(0, N_S, unroll=2)
        def _ex(s):
            for g in range(NGRP):
                xv = plsc.load_gather(x_blk, [lane50 + (g * LANES * N_S + s)])
                idx_sm[pl.ds(s * BT + g * LANES, LANES)] = xv

        def drain_out(out_t, sem_o):
            for tr in range(4):
                pltpu.make_async_copy(
                    out_t.at[pl.ds(tr * 1024, 1024)],
                    out_hbm.at[0, tr, tc], sem_o).wait()

        def process(k, q, rows_v, sem_g, out_t, sem_o):
            wait_g(k, rows_v, sem_g)

            @pl.loop(0, SB)
            def _s(ss):
                @pl.when((q > 0) | (ss > 0))
                def _dr():
                    drain_out(out_t, sem_o)

                roff = ss * BT

                @plsc.parallel_loop(0, BT, unroll=16)
                def _b(b):
                    for h in range(EMB_DIM // LANES):
                        v = rows_v[roff + b, pl.ds(h * LANES, LANES)]
                        plsc.store_scatter(
                            out_t, [lane128 + (h * LANES * BT + b)],
                            v * EMB_SCALE)

                s_glob = k * SB + ss
                for tr in range(4):
                    pltpu.async_copy(
                        out_t.at[pl.ds(tr * 1024, 1024)],
                        out_hbm.at[s_glob, tr, tc], sem_o)

        fire(0, rows_a, sem_ga)

        @pl.loop(0, NBATCH // 2)
        def _q(q):
            k0 = 2 * q
            fire(k0 + 1, rows_b, sem_gb)
            process(k0, q, rows_a, sem_ga, out_a, sem_oa)

            @pl.when(k0 + 2 < NBATCH)
            def _nx():
                fire(k0 + 2, rows_a, sem_ga)

            process(k0 + 1, q, rows_b, sem_gb, out_b, sem_ob)

        drain_out(out_a, sem_oa)
        drain_out(out_b, sem_ob)


@jax.jit
def _scaled_embedding(x2d, table):
    mesh = plsc.VectorSubcoreMesh(core_axis_name="c", subcore_axis_name="s")
    out6 = pl.kernel(
        _sc_kernel,
        out_type=jax.ShapeDtypeStruct((N_S, 4, N_BT, 8 * BT), jnp.float32),
        mesh=mesh,
        scratch_types=[
            pltpu.VMEM((XBLK,), jnp.int32),
            pltpu.VMEM((XBLK,), jnp.int32),
            pltpu.VMEM((GB, EMB_DIM), jnp.float32),
            pltpu.VMEM((GB, EMB_DIM), jnp.float32),
            pltpu.VMEM((OUTW,), jnp.float32),
            pltpu.VMEM((OUTW,), jnp.float32),
            pltpu.SemaphoreType.DMA,
            pltpu.SemaphoreType.DMA,
            pltpu.SemaphoreType.DMA,
            pltpu.SemaphoreType.DMA,
        ],
        compiler_params=pltpu.CompilerParams(
            use_tc_tiling_on_sc=False, needs_layout_passes=False
        ),
    )(x2d.reshape(-1), table)
    out5 = out6.reshape(N_S, 4, N_BT, 8, BT)
    return out5.transpose((2, 4, 0, 1, 3)).reshape(N_B, N_S, EMB_DIM)


def kernel(x, table):
    return _scaled_embedding(x, table)

# --- scband reference (transcript-rebuilt; emitter-appended) ---
"""Pipeline reference for scband-scaled-embedding-64330020160083 (READ-ONLY COPY).

The authoritative reference and input builder live on the scoring server;
editing this copy changes nothing except your own understanding.
"""

import jax, jax.numpy as jnp
import numpy as np

N_EMB = 1000000
EMB_DIM = 32
SCALE = 10.0

def setup_inputs(seed: int = 0) -> dict:
    key = jax.random.key(seed)
    k_idx, k_tab = jax.random.split(key)
    x = jax.random.randint(k_idx, (16384, 50), 0, N_EMB, dtype=jnp.int64 if jax.config.jax_enable_x64 else jnp.int32)
    table = jax.random.normal(k_tab, (N_EMB, EMB_DIM), dtype=jnp.float32)
    return {"x": x, "table": table}

def reference(x, table):
    # ScaledEmbedding: embedding lookup followed by scalar scaling
    emb = jnp.take(table, x, axis=0)  # (16384, 50, 32)
    return emb * SCALE

if __name__ == "__main__":
    import jax
    _d = setup_inputs()
    print(jax.jit(kernel)(*tuple(_d.values())))

</pallas_src>

<mosaic_0001>
#map = affine_map<(d0, d1) -> (0)>
#map1 = affine_map<(d0, d1) -> (0, 0)>
#map2 = affine_map<(d0, d1) -> (0, 0, 0, 0)>
module attributes {stable_mosaic.version = 14 : i64} {
  func.func @_sc_kernel(%arg0: i32, %arg1: i32, %arg2: memref<819200xi32, #tpu.memory_space<hbm>>, %arg3: memref<1000000x32xf32, #tpu.memory_space<hbm>>, %arg4: memref<50x4x128x1024xf32, #tpu.memory_space<hbm>>, %arg5: memref<6400xi32, #tpu.memory_space<vmem>>, %arg6: memref<6400xi32, #tpu.memory_space<vmem>>, %arg7: memref<640x32xf32, #tpu.memory_space<vmem>>, %arg8: memref<640x32xf32, #tpu.memory_space<vmem>>, %arg9: memref<4096xf32, #tpu.memory_space<vmem>>, %arg10: memref<4096xf32, #tpu.memory_space<vmem>>, %arg11: memref<!tpu.dma_semaphore, #tpu.memory_space<semaphore_mem>>, %arg12: memref<!tpu.dma_semaphore, #tpu.memory_space<semaphore_mem>>, %arg13: memref<!tpu.dma_semaphore, #tpu.memory_space<semaphore_mem>>, %arg14: memref<!tpu.dma_semaphore, #tpu.memory_space<semaphore_mem>>) attributes {dimension_semantics = [#tpu.dimension_semantics<core_parallel>, #tpu.dimension_semantics<subcore_parallel>], iteration_bounds = array<i64: 2, 16>, scalar_prefetch = 0 : i64, scratch_operands = 10 : i64, tpu.core_type = #tpu.core_type<sc_vector_subcore>, window_params = [{transform_indices = #map}, {transform_indices = #map1}, {transform_indices = #map2}]} {
    %mul3A = arith.constant 2 : i32
    %mul3A_0 = arith.muli %arg1, %mul3A : i32
    %add3A = arith.addi %mul3A_0, %arg0 : i32
    %iota3A = tpu.iota {dimensions = array<i32: 0>} : vector<16xi32>
    %mul3A_1 = arith.constant 50 : i32
    %mul3A_2 = vector.broadcast %mul3A_1 : i32 to vector<16xi32>
    %mul3A_3 = arith.muli %iota3A, %mul3A_2 : vector<16xi32>
    %mul3A_4 = arith.constant 128 : i32
    %mul3A_5 = vector.broadcast %mul3A_4 : i32 to vector<16xi32>
    %mul3A_6 = arith.muli %iota3A, %mul3A_5 : vector<16xi32>
    %scan3A = arith.constant 0 : i32
    %scan3A_7 = arith.constant 4 : i32
    %scan3A_8 = arith.addi %scan3A, %scan3A_7 : i32
    %scan3A_9 = arith.constant 1 : i32
    scf.for %scan3A_11 = %scan3A to %scan3A_8 step %scan3A_9  : i32 {
      %mul3A_12 = arith.constant 1 : i32
      %mul3A_13 = arith.muli %scan3A_11, %mul3A_12 : i32
      %add3A_14 = arith.constant 0 : i32
      %add3A_15 = arith.addi %add3A_14, %mul3A_13 : i32
      %mul3A_16 = arith.constant 4 : i32
      %mul3A_17 = arith.muli %add3A, %mul3A_16 : i32
      %add3A_18 = arith.addi %mul3A_17, %add3A_15 : i32
      %mul3A_19 = arith.constant 6400 : i32
      %mul3A_20 = arith.muli %add3A_18, %mul3A_19 : i32
      "tpu.region"() ({
        %run_scoped3A = tpu.sem_alloc : memref<!tpu.dma_semaphore, #tpu.memory_space<semaphore_mem>>
        %dma_start3A_127 = tpu.memref_slice %arg2[%mul3A_20] : memref<819200xi32, #tpu.memory_space<hbm>> -> memref<6400xi32, #tpu.memory_space<hbm>>
        %dma_start3A_128 = tpu.memref_slice %arg2[%mul3A_20] : memref<819200xi32, #tpu.memory_space<hbm>> -> memref<6400xi32, #tpu.memory_space<hbm>>
        tpu.enqueue_dma source(%dma_start3A_128 : memref<6400xi32, #tpu.memory_space<hbm>>) target(%arg5 : memref<6400xi32, #tpu.memory_space<vmem>>) target_semaphore(%run_scoped3A : memref<!tpu.dma_semaphore, #tpu.memory_space<semaphore_mem>>)
        %dma_wait3A_129 = tpu.memref_slice %arg2[%mul3A_20] : memref<819200xi32, #tpu.memory_space<hbm>> -> memref<6400xi32, #tpu.memory_space<hbm>>
        %dma_wait3A_130 = tpu.memref_slice %arg2[%mul3A_20] : memref<819200xi32, #tpu.memory_space<hbm>> -> memref<6400xi32, #tpu.memory_space<hbm>>
        tpu.wait_dma2 semaphore(%run_scoped3A : memref<!tpu.dma_semaphore, #tpu.memory_space<semaphore_mem>>) src(%dma_wait3A_130 : memref<6400xi32, #tpu.memory_space<hbm>>) dst(%arg5 : memref<6400xi32, #tpu.memory_space<vmem>>)
        tpu.yield
      }) : () -> ()
      %parallel_loop3A = arith.constant 0 : i32
      %parallel_loop3A_21 = arith.constant 50 : i32
      %parallel_loop3A_22 = arith.constant 1 : i32
      scf.for %parallel_loop3A_127 = %parallel_loop3A to %parallel_loop3A_21 step %parallel_loop3A_22  : i32 {
        %parallel_loop3A_128 = arith.constant 0 : i32
        %parallel_loop3A_129 = arith.addi %parallel_loop3A_128, %parallel_loop3A_127 : i32
        %parallel_loop3A_130 = vector.broadcast %parallel_loop3A_129 : i32 to vector<16xi32>
        %parallel_loop3A_131 = arith.addi %mul3A_3, %parallel_loop3A_130 : vector<16xi32>
        %parallel_loop3A_132 = tpu.vector_load_idx %arg5[%parallel_loop3A_131] : memref<6400xi32, #tpu.memory_space<vmem>>[vector<16xi32>], vector<16xi32>,
        %parallel_loop3A_133 = arith.constant 128 : i32
        %parallel_loop3A_134 = arith.muli %parallel_loop3A_127, %parallel_loop3A_133 : i32
        %parallel_loop3A_135 = arith.constant 0 : i32
        %parallel_loop3A_136 = arith.addi %parallel_loop3A_134, %parallel_loop3A_135 : i32
        %parallel_loop3A_137 = arith.index_cast %parallel_loop3A_136 : i32 to index
        %parallel_loop3A_138 = tpu.vector_load %arg6[%parallel_loop3A_137] {strides = array<i32>} : memref<6400xi32, #tpu.memory_space<vmem>>, vector<16xi32>,
        tpu.vector_store %arg6[%parallel_loop3A_137], %parallel_loop3A_132 {strides = array<i32>} : memref<6400xi32, #tpu.memory_space<vmem>>, vector<16xi32>,
        %parallel_loop3A_139 = arith.constant 800 : i32
        %parallel_loop3A_140 = arith.addi %parallel_loop3A_139, %parallel_loop3A_127 : i32
        %parallel_loop3A_141 = vector.broadcast %parallel_loop3A_140 : i32 to vector<16xi32>
        %parallel_loop3A_142 = arith.addi %mul3A_3, %parallel_loop3A_141 : vector<16xi32>
        %parallel_loop3A_143 = tpu.vector_load_idx %arg5[%parallel_loop3A_142] : memref<6400xi32, #tpu.memory_space<vmem>>[vector<16xi32>], vector<16xi32>,
        %parallel_loop3A_144 = arith.constant 128 : i32
        %parallel_loop3A_145 = arith.muli %parallel_loop3A_127, %parallel_loop3A_144 : i32
        %parallel_loop3A_146 = arith.constant 16 : i32
        %parallel_loop3A_147 = arith.addi %parallel_loop3A_145, %parallel_loop3A_146 : i32
        %parallel_loop3A_148 = arith.index_cast %parallel_loop3A_147 : i32 to index
        %parallel_loop3A_149 = tpu.vector_load %arg6[%parallel_loop3A_148] {strides = array<i32>} : memref<6400xi32, #tpu.memory_space<vmem>>, vector<16xi32>,
        tpu.vector_store %arg6[%parallel_loop3A_148], %parallel_loop3A_143 {strides = array<i32>} : memref<6400xi32, #tpu.memory_space<vmem>>, vector<16xi32>,
        %parallel_loop3A_150 = arith.constant 1600 : i32
        %parallel_loop3A_151 = arith.addi %parallel_loop3A_150, %parallel_loop3A_127 : i32
        %parallel_loop3A_152 = vector.broadcast %parallel_loop3A_151 : i32 to vector<16xi32>
        %parallel_loop3A_153 = arith.addi %mul3A_3, %parallel_loop3A_152 : vector<16xi32>
        %parallel_loop3A_154 = tpu.vector_load_idx %arg5[%parallel_loop3A_153] : memref<6400xi32, #tpu.memory_space<vmem>>[vector<16xi32>], vector<16xi32>,
        %parallel_loop3A_155 = arith.constant 128 : i32
        %parallel_loop3A_156 = arith.muli %parallel_loop3A_127, %parallel_loop3A_155 : i32
        %parallel_loop3A_157 = arith.constant 32 : i32
        %parallel_loop3A_158 = arith.addi %parallel_loop3A_156, %parallel_loop3A_157 : i32
        %parallel_loop3A_159 = arith.index_cast %parallel_loop3A_158 : i32 to index
        %parallel_loop3A_160 = tpu.vector_load %arg6[%parallel_loop3A_159] {strides = array<i32>} : memref<6400xi32, #tpu.memory_space<vmem>>, vector<16xi32>,
        tpu.vector_store %arg6[%parallel_loop3A_159], %parallel_loop3A_154 {strides = array<i32>} : memref<6400xi32, #tpu.memory_space<vmem>>, vector<16xi32>,
        %parallel_loop3A_161 = arith.constant 2400 : i32
        %parallel_loop3A_162 = arith.addi %parallel_loop3A_161, %parallel_loop3A_127 : i32
        %parallel_loop3A_163 = vector.broadcast %parallel_loop3A_162 : i32 to vector<16xi32>
        %parallel_loop3A_164 = arith.addi %mul3A_3, %parallel_loop3A_163 : vector<16xi32>
        %parallel_loop3A_165 = tpu.vector_load_idx %arg5[%parallel_loop3A_164] : memref<6400xi32, #tpu.memory_space<vmem>>[vector<16xi32>], vector<16xi32>,
        %parallel_loop3A_166 = arith.constant 128 : i32
        %parallel_loop3A_167 = arith.muli %parallel_loop3A_127, %parallel_loop3A_166 : i32
        %parallel_loop3A_168 = arith.constant 48 : i32
        %parallel_loop3A_169 = arith.addi %parallel_loop3A_167, %parallel_loop3A_168 : i32
        %parallel_loop3A_170 = arith.index_cast %parallel_loop3A_169 : i32 to index
        %parallel_loop3A_171 = tpu.vector_load %arg6[%parallel_loop3A_170] {strides = array<i32>} : memref<6400xi32, #tpu.memory_space<vmem>>, vector<16xi32>,
        tpu.vector_store %arg6[%parallel_loop3A_170], %parallel_loop3A_165 {strides = array<i32>} : memref<6400xi32, #tpu.memory_space<vmem>>, vector<16xi32>,
        %parallel_loop3A_172 = arith.constant 3200 : i32
        %parallel_loop3A_173 = arith.addi %parallel_loop3A_172, %parallel_loop3A_127 : i32
        %parallel_loop3A_174 = vector.broadcast %parallel_loop3A_173 : i32 to vector<16xi32>
        %parallel_loop3A_175 = arith.addi %mul3A_3, %parallel_loop3A_174 : vector<16xi32>
        %parallel_loop3A_176 = tpu.vector_load_idx %arg5[%parallel_loop3A_175] : memref<6400xi32, #tpu.memory_space<vmem>>[vector<16xi32>], vector<16xi32>,
        %parallel_loop3A_177 = arith.constant 128 : i32
        %parallel_loop3A_178 = arith.muli %parallel_loop3A_127, %parallel_loop3A_177 : i32
        %parallel_loop3A_179 = arith.constant 64 : i32
        %parallel_loop3A_180 = arith.addi %parallel_loop3A_178, %parallel_loop3A_179 : i32
        %parallel_loop3A_181 = arith.index_cast %parallel_loop3A_180 : i32 to index
        %parallel_loop3A_182 = tpu.vector_load %arg6[%parallel_loop3A_181] {strides = array<i32>} : memref<6400xi32, #tpu.memory_space<vmem>>, vector<16xi32>,
        tpu.vector_store %arg6[%parallel_loop3A_181], %parallel_loop3A_176 {strides = array<i32>} : memref<6400xi32, #tpu.memory_space<vmem>>, vector<16xi32>,
        %parallel_loop3A_183 = arith.constant 4000 : i32
        %parallel_loop3A_184 = arith.addi %parallel_loop3A_183, %parallel_loop3A_127 : i32
        %parallel_loop3A_185 = vector.broadcast %parallel_loop3A_184 : i32 to vector<16xi32>
        %parallel_loop3A_186 = arith.addi %mul3A_3, %parallel_loop3A_185 : vector<16xi32>
        %parallel_loop3A_187 = tpu.vector_load_idx %arg5[%parallel_loop3A_186] : memref<6400xi32, #tpu.memory_space<vmem>>[vector<16xi32>], vector<16xi32>,
        %parallel_loop3A_188 = arith.constant 128 : i32
        %parallel_loop3A_189 = arith.muli %parallel_loop3A_127, %parallel_loop3A_188 : i32
        %parallel_loop3A_190 = arith.constant 80 : i32
        %parallel_loop3A_191 = arith.addi %parallel_loop3A_189, %parallel_loop3A_190 : i32
        %parallel_loop3A_192 = arith.index_cast %parallel_loop3A_191 : i32 to index
        %parallel_loop3A_193 = tpu.vector_load %arg6[%parallel_loop3A_192] {strides = array<i32>} : memref<6400xi32, #tpu.memory_space<vmem>>, vector<16xi32>,
        tpu.vector_store %arg6[%parallel_loop3A_192], %parallel_loop3A_187 {strides = array<i32>} : memref<6400xi32, #tpu.memory_space<vmem>>, vector<16xi32>,
        %parallel_loop3A_194 = arith.constant 4800 : i32
        %parallel_loop3A_195 = arith.addi %parallel_loop3A_194, %parallel_loop3A_127 : i32
        %parallel_loop3A_196 = vector.broadcast %parallel_loop3A_195 : i32 to vector<16xi32>
        %parallel_loop3A_197 = arith.addi %mul3A_3, %parallel_loop3A_196 : vector<16xi32>
        %parallel_loop3A_198 = tpu.vector_load_idx %arg5[%parallel_loop3A_197] : memref<6400xi32, #tpu.memory_space<vmem>>[vector<16xi32>], vector<16xi32>,
        %parallel_loop3A_199 = arith.constant 128 : i32
        %parallel_loop3A_200 = arith.muli %parallel_loop3A_127, %parallel_loop3A_199 : i32
        %parallel_loop3A_201 = arith.constant 96 : i32
        %parallel_loop3A_202 = arith.addi %parallel_loop3A_200, %parallel_loop3A_201 : i32
        %parallel_loop3A_203 = arith.index_cast %parallel_loop3A_202 : i32 to index
        %parallel_loop3A_204 = tpu.vector_load %arg6[%parallel_loop3A_203] {strides = array<i32>} : memref<6400xi32, #tpu.memory_space<vmem>>, vector<16xi32>,
        tpu.vector_store %arg6[%parallel_loop3A_203], %parallel_loop3A_198 {strides = array<i32>} : memref<6400xi32, #tpu.memory_space<vmem>>, vector<16xi32>,
        %parallel_loop3A_205 = arith.constant 5600 : i32
        %parallel_loop3A_206 = arith.addi %parallel_loop3A_205, %parallel_loop3A_127 : i32
        %parallel_loop3A_207 = vector.broadcast %parallel_loop3A_206 : i32 to vector<16xi32>
        %parallel_loop3A_208 = arith.addi %mul3A_3, %parallel_loop3A_207 : vector<16xi32>
        %parallel_loop3A_209 = tpu.vector_load_idx %arg5[%parallel_loop3A_208] : memref<6400xi32, #tpu.memory_space<vmem>>[vector<16xi32>], vector<16xi32>,
        %parallel_loop3A_210 = arith.constant 128 : i32
        %parallel_loop3A_211 = arith.muli %parallel_loop3A_127, %parallel_loop3A_210 : i32
        %parallel_loop3A_212 = arith.constant 112 : i32
        %parallel_loop3A_213 = arith.addi %parallel_loop3A_211, %parallel_loop3A_212 : i32
        %parallel_loop3A_214 = arith.index_cast %parallel_loop3A_213 : i32 to index
        %parallel_loop3A_215 = tpu.vector_load %arg6[%parallel_loop3A_214] {strides = array<i32>} : memref<6400xi32, #tpu.memory_space<vmem>>, vector<16xi32>,
        tpu.vector_store %arg6[%parallel_loop3A_214], %parallel_loop3A_209 {strides = array<i32>} : memref<6400xi32, #tpu.memory_space<vmem>>, vector<16xi32>,
      } {sc.loop_unroll_factor = 2 : i64, sc.parallel_access}
      %dma_start3A = arith.constant 0 : i32
      %dma_start3A_23 = tpu.memref_slice %arg6[%dma_start3A] : memref<6400xi32, #tpu.memory_space<vmem>> -> memref<640xi32, #tpu.memory_space<vmem>>
      %dma_start3A_24 = arith.constant 0 : i32
      %dma_start3A_25 = arith.constant 0 : i32
      %dma_start3A_26 = tpu.memref_slice %arg3[%dma_start3A_24, %dma_start3A_25] : memref<1000000x32xf32, #tpu.memory_space<hbm>> -> memref<1000000x32xf32, #tpu.memory_space<hbm>>
      tpu.enqueue_indirect_dma source(%dma_start3A_26 : memref<1000000x32xf32, #tpu.memory_space<hbm>>) target(%arg7 : memref<640x32xf32, #tpu.memory_space<vmem>>) offsets(%dma_start3A_23 : memref<640xi32, #tpu.memory_space<vmem>>) semaphore(%arg11 : memref<!tpu.dma_semaphore, #tpu.memory_space<semaphore_mem>>)
      %scan3A_27 = arith.constant 0 : i32
      %scan3A_28 = arith.constant 5 : i32
      %scan3A_29 = arith.addi %scan3A_27, %scan3A_28 : i32
      %scan3A_30 = arith.constant 1 : i32
      scf.for %scan3A_127 = %scan3A_27 to %scan3A_29 step %scan3A_30  : i32 {
        %mul3A_128 = arith.constant 1 : i32
        %mul3A_129 = arith.muli %scan3A_127, %mul3A_128 : i32
        %add3A_130 = arith.constant 0 : i32
        %add3A_131 = arith.addi %add3A_130, %mul3A_129 : i32
        %mul3A_132 = arith.constant 2 : i32
        %mul3A_133 = arith.muli %mul3A_132, %add3A_131 : i32
        %add3A_134 = arith.constant 1 : i32
        %add3A_135 = arith.addi %mul3A_133, %add3A_134 : i32
        %mul3A_136 = arith.constant 640 : i32
        %mul3A_137 = arith.muli %add3A_135, %mul3A_136 : i32
        %dma_start3A_138 = tpu.memref_slice %arg6[%mul3A_137] : memref<6400xi32, #tpu.memory_space<vmem>> -> memref<640xi32, #tpu.memory_space<vmem>>
        %dma_start3A_139 = arith.constant 0 : i32
        %dma_start3A_140 = arith.constant 0 : i32
        %dma_start3A_141 = tpu.memref_slice %arg3[%dma_start3A_139, %dma_start3A_140] : memref<1000000x32xf32, #tpu.memory_space<hbm>> -> memref<1000000x32xf32, #tpu.memory_space<hbm>>
        tpu.enqueue_indirect_dma source(%dma_start3A_141 : memref<1000000x32xf32, #tpu.memory_space<hbm>>) target(%arg8 : memref<640x32xf32, #tpu.memory_space<vmem>>) offsets(%dma_start3A_138 : memref<640xi32, #tpu.memory_space<vmem>>) semaphore(%arg12 : memref<!tpu.dma_semaphore, #tpu.memory_space<semaphore_mem>>)
        %mul3A_142 = arith.constant 640 : i32
        %mul3A_143 = arith.muli %mul3A_133, %mul3A_142 : i32
        %dma_wait3A_144 = tpu.memref_slice %arg6[%mul3A_143] : memref<6400xi32, #tpu.memory_space<vmem>> -> memref<640xi32, #tpu.memory_space<vmem>>
        %dma_wait3A_145 = arith.constant 0 : i32
        %dma_wait3A_146 = arith.constant 0 : i32
        %dma_wait3A_147 = tpu.memref_slice %arg3[%dma_wait3A_145, %dma_wait3A_146] : memref<1000000x32xf32, #tpu.memory_space<hbm>> -> memref<1000000x32xf32, #tpu.memory_space<hbm>>
        tpu.wait_indirect_dma semaphore(%arg11 : memref<!tpu.dma_semaphore, #tpu.memory_space<semaphore_mem>>) src(%dma_wait3A_147 : memref<1000000x32xf32, #tpu.memory_space<hbm>>) dst(%arg7 : memref<640x32xf32, #tpu.memory_space<vmem>>)
        %scan3A_148 = arith.constant 0 : i32
        %scan3A_149 = arith.constant 5 : i32
        %scan3A_150 = arith.addi %scan3A_148, %scan3A_149 : i32
        %scan3A_151 = arith.constant 1 : i32
        scf.for %scan3A_170 = %scan3A_148 to %scan3A_150 step %scan3A_151  : i32 {
          %mul3A_171 = arith.constant 1 : i32
          %mul3A_172 = arith.muli %scan3A_170, %mul3A_171 : i32
          %add3A_173 = arith.constant 0 : i32
          %add3A_174 = arith.addi %add3A_173, %mul3A_172 : i32
          %gt3A = arith.constant 0 : i32
          %gt3A_175 = arith.cmpi sgt, %add3A_131, %gt3A : i32
          %gt3A_176 = arith.constant 0 : i32
          %gt3A_177 = arith.cmpi sgt, %add3A_174, %gt3A_176 : i32
          %or3A = arith.ori %gt3A_175, %gt3A_177 : i1
          %convert_element_type3A_178 = arith.extui %or3A : i1 to i32
          %cond3A_179 = arith.constant 0 : i32
          %cond3A_180 = arith.cmpi ne, %convert_element_type3A_178, %cond3A_179 : i32
          scf.if %cond3A_180 {
            %dma_wait3A_233 = arith.constant 0 : i32
            %dma_wait3A_234 = arith.constant 0 : i32
            %dma_wait3A_235 = arith.constant 0 : i32
            %dma_wait3A_236 = tpu.memref_slice %arg9[%dma_wait3A_235] : memref<4096xf32, #tpu.memory_space<vmem>> -> memref<1024xf32, #tpu.memory_space<vmem>>
            %dma_wait3A_237 = arith.constant 0 : i32
            %dma_wait3A_238 = tpu.memref_slice %arg4[%dma_wait3A_233, %dma_wait3A_234, %add3A_18, %dma_wait3A_237] : memref<50x4x128x1024xf32, #tpu.memory_space<hbm>> -> memref<1x1x1x1024xf32, #tpu.memory_space<hbm>>
            %dma_wait3A_239 = tpu.memref_squeeze %dma_wait3A_238 : memref<1x1x1x1024xf32, #tpu.memory_space<hbm>> -> memref<1024xf32, #tpu.memory_space<hbm>>
            %dma_wait3A_240 = arith.constant 0 : i32
            %dma_wait3A_241 = tpu.memref_slice %arg4[%dma_wait3A_233, %dma_wait3A_234, %add3A_18, %dma_wait3A_240] : memref<50x4x128x1024xf32, #tpu.memory_space<hbm>> -> memref<1x1x1x1024xf32, #tpu.memory_space<hbm>>
            %dma_wait3A_242 = tpu.memref_squeeze %dma_wait3A_241 : memref<1x1x1x1024xf32, #tpu.memory_space<hbm>> -> memref<1024xf32, #tpu.memory_space<hbm>>
            %dma_wait3A_243 = arith.constant 0 : i32
            %dma_wait3A_244 = tpu.memref_slice %arg9[%dma_wait3A_243] : memref<4096xf32, #tpu.memory_space<vmem>> -> memref<1024xf32, #tpu.memory_space<vmem>>
            tpu.wait_dma2 semaphore(%arg13 : memref<!tpu.dma_semaphore, #tpu.memory_space<semaphore_mem>>) src(%dma_wait3A_244 : memref<1024xf32, #tpu.memory_space<vmem>>) dst(%dma_wait3A_242 : memref<1024xf32, #tpu.memory_space<hbm>>)
            %dma_wait3A_245 = arith.constant 0 : i32
            %dma_wait3A_246 = arith.constant 1 : i32
            %dma_wait3A_247 = arith.constant 1024 : i32
            %dma_wait3A_248 = tpu.memref_slice %arg9[%dma_wait3A_247] : memref<4096xf32, #tpu.memory_space<vmem>> -> memref<1024xf32, #tpu.memory_space<vmem>>
            %dma_wait3A_249 = arith.constant 0 : i32
            %dma_wait3A_250 = tpu.memref_slice %arg4[%dma_wait3A_245, %dma_wait3A_246, %add3A_18, %dma_wait3A_249] : memref<50x4x128x1024xf32, #tpu.memory_space<hbm>> -> memref<1x1x1x1024xf32, #tpu.memory_space<hbm>>
            %dma_wait3A_251 = tpu.memref_squeeze %dma_wait3A_250 : memref<1x1x1x1024xf32, #tpu.memory_space<hbm>> -> memref<1024xf32, #tpu.memory_space<hbm>>
            %dma_wait3A_252 = arith.constant 0 : i32
            %dma_wait3A_253 = tpu.memref_slice %arg4[%dma_wait3A_245, %dma_wait3A_246, %add3A_18, %dma_wait3A_252] : memref<50x4x128x1024xf32, #tpu.memory_space<hbm>> -> memref<1x1x1x1024xf32, #tpu.memory_space<hbm>>
            %dma_wait3A_254 = tpu.memref_squeeze %dma_wait3A_253 : memref<1x1x1x1024xf32, #tpu.memory_space<hbm>> -> memref<1024xf32, #tpu.memory_space<hbm>>
            %dma_wait3A_255 = arith.constant 1024 : i32
            %dma_wait3A_256 = tpu.memref_slice %arg9[%dma_wait3A_255] : memref<4096xf32, #tpu.memory_space<vmem>> -> memref<1024xf32, #tpu.memory_space<vmem>>
            tpu.wait_dma2 semaphore(%arg13 : memref<!tpu.dma_semaphore, #tpu.memory_space<semaphore_mem>>) src(%dma_wait3A_256 : memref<1024xf32, #tpu.memory_space<vmem>>) dst(%dma_wait3A_254 : memref<1024xf32, #tpu.memory_space<hbm>>)
            %dma_wait3A_257 = arith.constant 0 : i32
            %dma_wait3A_258 = arith.constant 2 : i32
            %dma_wait3A_259 = arith.constant 2048 : i32
            %dma_wait3A_260 = tpu.memref_slice %arg9[%dma_wait3A_259] : memref<4096xf32, #tpu.memory_space<vmem>> -> memref<1024xf32, #tpu.memory_space<vmem>>
            %dma_wait3A_261 = arith.constant 0 : i32
            %dma_wait3A_262 = tpu.memref_slice %arg4[%dma_wait3A_257, %dma_wait3A_258, %add3A_18, %dma_wait3A_261] : memref<50x4x128x1024xf32, #tpu.memory_space<hbm>> -> memref<1x1x1x1024xf32, #tpu.memory_space<hbm>>
            %dma_wait3A_263 = tpu.memref_squeeze %dma_wait3A_262 : memref<1x1x1x1024xf32, #tpu.memory_space<hbm>> -> memref<1024xf32, #tpu.memory_space<hbm>>
            %dma_wait3A_264 = arith.constant 0 : i32
            %dma_wait3A_265 = tpu.memref_slice %arg4[%dma_wait3A_257, %dma_wait3A_258, %add3A_18, %dma_wait3A_264] : memref<50x4x128x1024xf32, #tpu.memory_space<hbm>> -> memref<1x1x1x1024xf32, #tpu.memory_space<hbm>>
            %dma_wait3A_266 = tpu.memref_squeeze %dma_wait3A_265 : memref<1x1x1x1024xf32, #tpu.memory_space<hbm>> -> memref<1024xf32, #tpu.memory_space<hbm>>
            %dma_wait3A_267 = arith.constant 2048 : i32
            %dma_wait3A_268 = tpu.memref_slice %arg9[%dma_wait3A_267] : memref<4096xf32, #tpu.memory_space<vmem>> -> memref<1024xf32, #tpu.memory_space<vmem>>
            tpu.wait_dma2 semaphore(%arg13 : memref<!tpu.dma_semaphore, #tpu.memory_space<semaphore_mem>>) src(%dma_wait3A_268 : memref<1024xf32, #tpu.memory_space<vmem>>) dst(%dma_wait3A_266 : memref<1024xf32, #tpu.memory_space<hbm>>)
            %dma_wait3A_269 = arith.constant 0 : i32
            %dma_wait3A_270 = arith.constant 3 : i32
            %dma_wait3A_271 = arith.constant 3072 : i32
            %dma_wait3A_272 = tpu.memref_slice %arg9[%dma_wait3A_271] : memref<4096xf32, #tpu.memory_space<vmem>> -> memref<1024xf32, #tpu.memory_space<vmem>>
            %dma_wait3A_273 = arith.constant 0 : i32
            %dma_wait3A_274 = tpu.memref_slice %arg4[%dma_wait3A_269, %dma_wait3A_270, %add3A_18, %dma_wait3A_273] : memref<50x4x128x1024xf32, #tpu.memory_space<hbm>> -> memref<1x1x1x1024xf32, #tpu.memory_space<hbm>>
            %dma_wait3A_275 = tpu.memref_squeeze %dma_wait3A_274 : memref<1x1x1x1024xf32, #tpu.memory_space<hbm>> -> memref<1024xf32, #tpu.memory_space<hbm>>
            %dma_wait3A_276 = arith.constant 0 : i32
            %dma_wait3A_277 = tpu.memref_slice %arg4[%dma_wait3A_269, %dma_wait3A_270, %add3A_18, %dma_wait3A_276] : memref<50x4x128x1024xf32, #tpu.memory_space<hbm>> -> memref<1x1x1x1024xf32, #tpu.memory_space<hbm>>
            %dma_wait3A_278 = tpu.memref_squeeze %dma_wait3A_277 : memref<1x1x1x1024xf32, #tpu.memory_space<hbm>> -> memref<1024xf32, #tpu.memory_space<hbm>>
            %dma_wait3A_279 = arith.constant 3072 : i32
            %dma_wait3A_280 = tpu.memref_slice %arg9[%dma_wait3A_279] : memref<4096xf32, #tpu.memory_space<vmem>> -> memref<1024xf32, #tpu.memory_space<vmem>>
            tpu.wait_dma2 semaphore(%arg13 : memref<!tpu.dma_semaphore, #tpu.memory_space<semaphore_mem>>) src(%dma_wait3A_280 : memref<1024xf32, #tpu.memory_space<vmem>>) dst(%dma_wait3A_278 : memref<1024xf32, #tpu.memory_space<hbm>>)
          } else {
          }
          %mul3A_181 = arith.constant 128 : i32
          %mul3A_182 = arith.muli %add3A_174, %mul3A_181 : i32
          %parallel_loop3A_183 = arith.constant 0 : i32
          %parallel_loop3A_184 = arith.constant 128 : i32
          %parallel_loop3A_185 = arith.constant 1 : i32
          scf.for %parallel_loop3A_233 = %parallel_loop3A_183 to %parallel_loop3A_184 step %parallel_loop3A_185  : i32 {
            %parallel_loop3A_234 = arith.addi %mul3A_182, %parallel_loop3A_233 : i32
            %parallel_loop3A_235 = arith.index_cast %parallel_loop3A_234 : i32 to index
            %parallel_loop3A_236 = arith.constant 0 : index
            %parallel_loop3A_237 = tpu.vector_load %arg7[%parallel_loop3A_235, %parallel_loop3A_236] {strides = array<i32>} : memref<640x32xf32, #tpu.memory_space<vmem>>, vector<16xf32>,
            %parallel_loop3A_238 = arith.constant 0 : i32
            %parallel_loop3A_239 = arith.addi %parallel_loop3A_238, %parallel_loop3A_233 : i32
            %parallel_loop3A_240 = vector.broadcast %parallel_loop3A_239 : i32 to vector<16xi32>
            %parallel_loop3A_241 = arith.addi %mul3A_6, %parallel_loop3A_240 : vector<16xi32>
            %parallel_loop3A_242 = arith.constant 1.000000e+01 : f32
            %parallel_loop3A_243 = vector.broadcast %parallel_loop3A_242 : f32 to vector<16xf32>
            %parallel_loop3A_244 = arith.mulf %parallel_loop3A_237, %parallel_loop3A_243 : vector<16xf32>
            tpu.vector_store_idx %arg9[%parallel_loop3A_241], %parallel_loop3A_244 : memref<4096xf32, #tpu.memory_space<vmem>>[vector<16xi32>], vector<16xf32>,
            %parallel_loop3A_245 = arith.addi %mul3A_182, %parallel_loop3A_233 : i32
            %parallel_loop3A_246 = arith.index_cast %parallel_loop3A_245 : i32 to index
            %parallel_loop3A_247 = arith.constant 16 : index
            %parallel_loop3A_248 = tpu.vector_load %arg7[%parallel_loop3A_246, %parallel_loop3A_247] {strides = array<i32>} : memref<640x32xf32, #tpu.memory_space<vmem>>, vector<16xf32>,
            %parallel_loop3A_249 = arith.constant 2048 : i32
            %parallel_loop3A_250 = arith.addi %parallel_loop3A_249, %parallel_loop3A_233 : i32
            %parallel_loop3A_251 = vector.broadcast %parallel_loop3A_250 : i32 to vector<16xi32>
            %parallel_loop3A_252 = arith.addi %mul3A_6, %parallel_loop3A_251 : vector<16xi32>
            %parallel_loop3A_253 = arith.constant 1.000000e+01 : f32
            %parallel_loop3A_254 = vector.broadcast %parallel_loop3A_253 : f32 to vector<16xf32>
            %parallel_loop3A_255 = arith.mulf %parallel_loop3A_248, %parallel_loop3A_254 : vector<16xf32>
            tpu.vector_store_idx %arg9[%parallel_loop3A_252], %parallel_loop3A_255 : memref<4096xf32, #tpu.memory_space<vmem>>[vector<16xi32>], vector<16xf32>,
          } {sc.loop_unroll_factor = 16 : i64, sc.parallel_access}
          %mul3A_186 = arith.constant 5 : i32
          %mul3A_187 = arith.muli %mul3A_133, %mul3A_186 : i32
          %add3A_188 = arith.addi %mul3A_187, %add3A_174 : i32
          %dma_start3A_189 = arith.constant 0 : i32
          %dma_start3A_190 = arith.constant 0 : i32
          %dma_start3A_191 = tpu.memref_slice %arg9[%dma_start3A_190] : memref<4096xf32, #tpu.memory_space<vmem>> -> memref<1024xf32, #tpu.memory_space<vmem>>
          %dma_start3A_192 = arith.constant 0 : i32
          %dma_start3A_193 = tpu.memref_slice %arg4[%add3A_188, %dma_start3A_189, %add3A_18, %dma_start3A_192] : memref<50x4x128x1024xf32, #tpu.memory_space<hbm>> -> memref<1x1x1x1024xf32, #tpu.memory_space<hbm>>
          %dma_start3A_194 = tpu.memref_squeeze %dma_start3A_193 : memref<1x1x1x1024xf32, #tpu.memory_space<hbm>> -> memref<1024xf32, #tpu.memory_space<hbm>>
          %dma_start3A_195 = arith.constant 0 : i32
          %dma_start3A_196 = tpu.memref_slice %arg4[%add3A_188, %dma_start3A_189, %add3A_18, %dma_start3A_195] : memref<50x4x128x1024xf32, #tpu.memory_space<hbm>> -> memref<1x1x1x1024xf32, #tpu.memory_space<hbm>>
          %dma_start3A_197 = tpu.memref_squeeze %dma_start3A_196 : memref<1x1x1x1024xf32, #tpu.memory_space<hbm>> -> memref<1024xf32, #tpu.memory_space<hbm>>
          %dma_start3A_198 = arith.constant 0 : i32
          %dma_start3A_199 = tpu.memref_slice %arg9[%dma_start3A_198] : memref<4096xf32, #tpu.memory_space<vmem>> -> memref<1024xf32, #tpu.memory_space<vmem>>
          tpu.enqueue_dma source(%dma_start3A_199 : memref<1024xf32, #tpu.memory_space<vmem>>) target(%dma_start3A_197 : memref<1024xf32, #tpu.memory_space<hbm>>) target_semaphore(%arg13 : memref<!tpu.dma_semaphore, #tpu.memory_space<semaphore_mem>>)
          %dma_start3A_200 = arith.constant 1 : i32
          %dma_start3A_201 = arith.constant 1024 : i32
          %dma_start3A_202 = tpu.memref_slice %arg9[%dma_start3A_201] : memref<4096xf32, #tpu.memory_space<vmem>> -> memref<1024xf32, #tpu.memory_space<vmem>>
          %dma_start3A_203 = arith.constant 0 : i32
          %dma_start3A_204 = tpu.memref_slice %arg4[%add3A_188, %dma_start3A_200, %add3A_18, %dma_start3A_203] : memref<50x4x128x1024xf32, #tpu.memory_space<hbm>> -> memref<1x1x1x1024xf32, #tpu.memory_space<hbm>>
          %dma_start3A_205 = tpu.memref_squeeze %dma_start3A_204 : memref<1x1x1x1024xf32, #tpu.memory_space<hbm>> -> memref<1024xf32, #tpu.memory_space<hbm>>
          %dma_start3A_206 = arith.constant 0 : i32
          %dma_start3A_207 = tpu.memref_slice %arg4[%add3A_188, %dma_start3A_200, %add3A_18, %dma_start3A_206] : memref<50x4x128x1024xf32, #tpu.memory_space<hbm>> -> memref<1x1x1x1024xf32, #tpu.memory_space<hbm>>
          %dma_start3A_208 = tpu.memref_squeeze %dma_start3A_207 : memref<1x1x1x1024xf32, #tpu.memory_space<hbm>> -> memref<1024xf32, #tpu.memory_space<hbm>>
          %dma_start3A_209 = arith.constant 1024 : i32
          %dma_start3A_210 = tpu.memref_slice %arg9[%dma_start3A_209] : memref<4096xf32, #tpu.memory_space<vmem>> -> memref<1024xf32, #tpu.memory_space<vmem>>
          tpu.enqueue_dma source(%dma_start3A_210 : memref<1024xf32, #tpu.memory_space<vmem>>) target(%dma_start3A_208 : memref<1024xf32, #tpu.memory_space<hbm>>) target_semaphore(%arg13 : memref<!tpu.dma_semaphore, #tpu.memory_space<semaphore_mem>>)
          %dma_start3A_211 = arith.constant 2 : i32
          %dma_start3A_212 = arith.constant 2048 : i32
          %dma_start3A_213 = tpu.memref_slice %arg9[%dma_start3A_212] : memref<4096xf32, #tpu.memory_space<vmem>> -> memref<1024xf32, #tpu.memory_space<vmem>>
          %dma_start3A_214 = arith.constant 0 : i32
          %dma_start3A_215 = tpu.memref_slice %arg4[%add3A_188, %dma_start3A_211, %add3A_18, %dma_start3A_214] : memref<50x4x128x1024xf32, #tpu.memory_space<hbm>> -> memref<1x1x1x1024xf32, #tpu.memory_space<hbm>>
          %dma_start3A_216 = tpu.memref_squeeze %dma_start3A_215 : memref<1x1x1x1024xf32, #tpu.memory_space<hbm>> -> memref<1024xf32, #tpu.memory_space<hbm>>
          %dma_start3A_217 = arith.constant 0 : i32
          %dma_start3A_218 = tpu.memref_slice %arg4[%add3A_188, %dma_start3A_211, %add3A_18, %dma_start3A_217] : memref<50x4x128x1024xf32, #tpu.memory_space<hbm>> -> memref<1x1x1x1024xf32, #tpu.memory_space<hbm>>
          %dma_start3A_219 = tpu.memref_squeeze %dma_start3A_218 : memref<1x1x1x1024xf32, #tpu.memory_space<hbm>> -> memref<1024xf32, #tpu.memory_space<hbm>>
          %dma_start3A_220 = arith.constant 2048 : i32
          %dma_start3A_221 = tpu.memref_slice %arg9[%dma_start3A_220] : memref<4096xf32, #tpu.memory_space<vmem>> -> memref<1024xf32, #tpu.memory_space<vmem>>
          tpu.enqueue_dma source(%dma_start3A_221 : memref<1024xf32, #tpu.memory_space<vmem>>) target(%dma_start3A_219 : memref<1024xf32, #tpu.memory_space<hbm>>) target_semaphore(%arg13 : memref<!tpu.dma_semaphore, #tpu.memory_space<semaphore_mem>>)
          %dma_start3A_222 = arith.constant 3 : i32
          %dma_start3A_223 = arith.constant 3072 : i32
          %dma_start3A_224 = tpu.memref_slice %arg9[%dma_start3A_223] : memref<4096xf32, #tpu.memory_space<vmem>> -> memref<1024xf32, #tpu.memory_space<vmem>>
          %dma_start3A_225 = arith.constant 0 : i32
          %dma_start3A_226 = tpu.memref_slice %arg4[%add3A_188, %dma_start3A_222, %add3A_18, %dma_start3A_225] : memref<50x4x128x1024xf32, #tpu.memory_space<hbm>> -> memref<1x1x1x1024xf32, #tpu.memory_space<hbm>>
          %dma_start3A_227 = tpu.memref_squeeze %dma_start3A_226 : memref<1x1x1x1024xf32, #tpu.memory_space<hbm>> -> memref<1024xf32, #tpu.memory_space<hbm>>
          %dma_start3A_228 = arith.constant 0 : i32
          %dma_start3A_229 = tpu.memref_slice %arg4[%add3A_188, %dma_start3A_222, %add3A_18, %dma_start3A_228] : memref<50x4x128x1024xf32, #tpu.memory_space<hbm>> -> memref<1x1x1x1024xf32, #tpu.memory_space<hbm>>
          %dma_start3A_230 = tpu.memref_squeeze %dma_start3A_229 : memref<1x1x1x1024xf32, #tpu.memory_space<hbm>> -> memref<1024xf32, #tpu.memory_space<hbm>>
          %dma_start3A_231 = arith.constant 3072 : i32
          %dma_start3A_232 = tpu.memref_slice %arg9[%dma_start3A_231] : memref<4096xf32, #tpu.memory_space<vmem>> -> memref<1024xf32, #tpu.memory_space<vmem>>
          tpu.enqueue_dma source(%dma_start3A_232 : memref<1024xf32, #tpu.memory_space<vmem>>) target(%dma_start3A_230 : memref<1024xf32, #tpu.memory_space<hbm>>) target_semaphore(%arg13 : memref<!tpu.dma_semaphore, #tpu.memory_space<semaphore_mem>>)
        }
        %scan3A_152 = arith.constant 5 : i32
        %add3A_153 = arith.constant 2 : i32
        %add3A_154 = arith.addi %mul3A_133, %add3A_153 : i32
        %lt3A = arith.constant 10 : i32
        %lt3A_155 = arith.cmpi slt, %add3A_154, %lt3A : i32
        %convert_element_type3A = arith.extui %lt3A_155 : i1 to i32
        %cond3A = arith.constant 0 : i32
        %cond3A_156 = arith.cmpi ne, %convert_element_type3A, %cond3A : i32
        scf.if %cond3A_156 {
          %add3A_170 = arith.constant 2 : i32
          %add3A_171 = arith.addi %mul3A_133, %add3A_170 : i32
          %mul3A_172 = arith.constant 640 : i32
          %mul3A_173 = arith.muli %add3A_171, %mul3A_172 : i32
          %dma_start3A_174 = tpu.memref_slice %arg6[%mul3A_173] : memref<6400xi32, #tpu.memory_space<vmem>> -> memref<640xi32, #tpu.memory_space<vmem>>
          %dma_start3A_175 = arith.constant 0 : i32
          %dma_start3A_176 = arith.constant 0 : i32
          %dma_start3A_177 = tpu.memref_slice %arg3[%dma_start3A_175, %dma_start3A_176] : memref<1000000x32xf32, #tpu.memory_space<hbm>> -> memref<1000000x32xf32, #tpu.memory_space<hbm>>
          tpu.enqueue_indirect_dma source(%dma_start3A_177 : memref<1000000x32xf32, #tpu.memory_space<hbm>>) target(%arg7 : memref<640x32xf32, #tpu.memory_space<vmem>>) offsets(%dma_start3A_174 : memref<640xi32, #tpu.memory_space<vmem>>) semaphore(%arg11 : memref<!tpu.dma_semaphore, #tpu.memory_space<semaphore_mem>>)
        } else {
        }
        %add3A_157 = arith.constant 1 : i32
        %add3A_158 = arith.addi %mul3A_133, %add3A_157 : i32
        %mul3A_159 = arith.constant 640 : i32
        %mul3A_160 = arith.muli %add3A_158, %mul3A_159 : i32
        %dma_wait3A_161 = tpu.memref_slice %arg6[%mul3A_160] : memref<6400xi32, #tpu.memory_space<vmem>> -> memref<640xi32, #tpu.memory_space<vmem>>
        %dma_wait3A_162 = arith.constant 0 : i32
        %dma_wait3A_163 = arith.constant 0 : i32
        %dma_wait3A_164 = tpu.memref_slice %arg3[%dma_wait3A_162, %dma_wait3A_163] : memref<1000000x32xf32, #tpu.memory_space<hbm>> -> memref<1000000x32xf32, #tpu.memory_space<hbm>>
        tpu.wait_indirect_dma semaphore(%arg12 : memref<!tpu.dma_semaphore, #tpu.memory_space<semaphore_mem>>) src(%dma_wait3A_164 : memref<1000000x32xf32, #tpu.memory_space<hbm>>) dst(%arg8 : memref<640x32xf32, #tpu.memory_space<vmem>>)
        %scan3A_165 = arith.constant 0 : i32
        %scan3A_166 = arith.constant 5 : i32
        %scan3A_167 = arith.addi %scan3A_165, %scan3A_166 : i32
        %scan3A_168 = arith.constant 1 : i32
        scf.for %scan3A_170 = %scan3A_165 to %scan3A_167 step %scan3A_168  : i32 {
          %mul3A_171 = arith.constant 1 : i32
          %mul3A_172 = arith.muli %scan3A_170, %mul3A_171 : i32
          %add3A_173 = arith.constant 0 : i32
          %add3A_174 = arith.addi %add3A_173, %mul3A_172 : i32
          %gt3A = arith.constant 0 : i32
          %gt3A_175 = arith.cmpi sgt, %add3A_131, %gt3A : i32
          %gt3A_176 = arith.constant 0 : i32
          %gt3A_177 = arith.cmpi sgt, %add3A_174, %gt3A_176 : i32
          %or3A = arith.ori %gt3A_175, %gt3A_177 : i1
          %convert_element_type3A_178 = arith.extui %or3A : i1 to i32
          %cond3A_179 = arith.constant 0 : i32
          %cond3A_180 = arith.cmpi ne, %convert_element_type3A_178, %cond3A_179 : i32
          scf.if %cond3A_180 {
            %dma_wait3A_233 = arith.constant 0 : i32
            %dma_wait3A_234 = arith.constant 0 : i32
            %dma_wait3A_235 = arith.constant 0 : i32
            %dma_wait3A_236 = tpu.memref_slice %arg10[%dma_wait3A_235] : memref<4096xf32, #tpu.memory_space<vmem>> -> memref<1024xf32, #tpu.memory_space<vmem>>
            %dma_wait3A_237 = arith.constant 0 : i32
            %dma_wait3A_238 = tpu.memref_slice %arg4[%dma_wait3A_233, %dma_wait3A_234, %add3A_18, %dma_wait3A_237] : memref<50x4x128x1024xf32, #tpu.memory_space<hbm>> -> memref<1x1x1x1024xf32, #tpu.memory_space<hbm>>
            %dma_wait3A_239 = tpu.memref_squeeze %dma_wait3A_238 : memref<1x1x1x1024xf32, #tpu.memory_space<hbm>> -> memref<1024xf32, #tpu.memory_space<hbm>>
            %dma_wait3A_240 = arith.constant 0 : i32
            %dma_wait3A_241 = tpu.memref_slice %arg4[%dma_wait3A_233, %dma_wait3A_234, %add3A_18, %dma_wait3A_240] : memref<50x4x128x1024xf32, #tpu.memory_space<hbm>> -> memref<1x1x1x1024xf32, #tpu.memory_space<hbm>>
            %dma_wait3A_242 = tpu.memref_squeeze %dma_wait3A_241 : memref<1x1x1x1024xf32, #tpu.memory_space<hbm>> -> memref<1024xf32, #tpu.memory_space<hbm>>
            %dma_wait3A_243 = arith.constant 0 : i32
            %dma_wait3A_244 = tpu.memref_slice %arg10[%dma_wait3A_243] : memref<4096xf32, #tpu.memory_space<vmem>> -> memref<1024xf32, #tpu.memory_space<vmem>>
            tpu.wait_dma2 semaphore(%arg14 : memref<!tpu.dma_semaphore, #tpu.memory_space<semaphore_mem>>) src(%dma_wait3A_244 : memref<1024xf32, #tpu.memory_space<vmem>>) dst(%dma_wait3A_242 : memref<1024xf32, #tpu.memory_space<hbm>>)
            %dma_wait3A_245 = arith.constant 0 : i32
            %dma_wait3A_246 = arith.constant 1 : i32
            %dma_wait3A_247 = arith.constant 1024 : i32
            %dma_wait3A_248 = tpu.memref_slice %arg10[%dma_wait3A_247] : memref<4096xf32, #tpu.memory_space<vmem>> -> memref<1024xf32, #tpu.memory_space<vmem>>
            %dma_wait3A_249 = arith.constant 0 : i32
            %dma_wait3A_250 = tpu.memref_slice %arg4[%dma_wait3A_245, %dma_wait3A_246, %add3A_18, %dma_wait3A_249] : memref<50x4x128x1024xf32, #tpu.memory_space<hbm>> -> memref<1x1x1x1024xf32, #tpu.memory_space<hbm>>
            %dma_wait3A_251 = tpu.memref_squeeze %dma_wait3A_250 : memref<1x1x1x1024xf32, #tpu.memory_space<hbm>> -> memref<1024xf32, #tpu.memory_space<hbm>>
            %dma_wait3A_252 = arith.constant 0 : i32
            %dma_wait3A_253 = tpu.memref_slice %arg4[%dma_wait3A_245, %dma_wait3A_246, %add3A_18, %dma_wait3A_252] : memref<50x4x128x1024xf32, #tpu.memory_space<hbm>> -> memref<1x1x1x1024xf32, #tpu.memory_space<hbm>>
            %dma_wait3A_254 = tpu.memref_squeeze %dma_wait3A_253 : memref<1x1x1x1024xf32, #tpu.memory_space<hbm>> -> memref<1024xf32, #tpu.memory_space<hbm>>
            %dma_wait3A_255 = arith.constant 1024 : i32
            %dma_wait3A_256 = tpu.memref_slice %arg10[%dma_wait3A_255] : memref<4096xf32, #tpu.memory_space<vmem>> -> memref<1024xf32, #tpu.memory_space<vmem>>
            tpu.wait_dma2 semaphore(%arg14 : memref<!tpu.dma_semaphore, #tpu.memory_space<semaphore_mem>>) src(%dma_wait3A_256 : memref<1024xf32, #tpu.memory_space<vmem>>) dst(%dma_wait3A_254 : memref<1024xf32, #tpu.memory_space<hbm>>)
            %dma_wait3A_257 = arith.constant 0 : i32
            %dma_wait3A_258 = arith.constant 2 : i32
            %dma_wait3A_259 = arith.constant 2048 : i32
            %dma_wait3A_260 = tpu.memref_slice %arg10[%dma_wait3A_259] : memref<4096xf32, #tpu.memory_space<vmem>> -> memref<1024xf32, #tpu.memory_space<vmem>>
            %dma_wait3A_261 = arith.constant 0 : i32
            %dma_wait3A_262 = tpu.memref_slice %arg4[%dma_wait3A_257, %dma_wait3A_258, %add3A_18, %dma_wait3A_261] : memref<50x4x128x1024xf32, #tpu.memory_space<hbm>> -> memref<1x1x1x1024xf32, #tpu.memory_space<hbm>>
            %dma_wait3A_263 = tpu.memref_squeeze %dma_wait3A_262 : memref<1x1x1x1024xf32, #tpu.memory_space<hbm>> -> memref<1024xf32, #tpu.memory_space<hbm>>
            %dma_wait3A_264 = arith.constant 0 : i32
            %dma_wait3A_265 = tpu.memref_slice %arg4[%dma_wait3A_257, %dma_wait3A_258, %add3A_18, %dma_wait3A_264] : memref<50x4x128x1024xf32, #tpu.memory_space<hbm>> -> memref<1x1x1x1024xf32, #tpu.memory_space<hbm>>
            %dma_wait3A_266 = tpu.memref_squeeze %dma_wait3A_265 : memref<1x1x1x1024xf32, #tpu.memory_space<hbm>> -> memref<1024xf32, #tpu.memory_space<hbm>>
            %dma_wait3A_267 = arith.constant 2048 : i32
            %dma_wait3A_268 = tpu.memref_slice %arg10[%dma_wait3A_267] : memref<4096xf32, #tpu.memory_space<vmem>> -> memref<1024xf32, #tpu.memory_space<vmem>>
            tpu.wait_dma2 semaphore(%arg14 : memref<!tpu.dma_semaphore, #tpu.memory_space<semaphore_mem>>) src(%dma_wait3A_268 : memref<1024xf32, #tpu.memory_space<vmem>>) dst(%dma_wait3A_266 : memref<1024xf32, #tpu.memory_space<hbm>>)
            %dma_wait3A_269 = arith.constant 0 : i32
            %dma_wait3A_270 = arith.constant 3 : i32
            %dma_wait3A_271 = arith.constant 3072 : i32
            %dma_wait3A_272 = tpu.memref_slice %arg10[%dma_wait3A_271] : memref<4096xf32, #tpu.memory_space<vmem>> -> memref<1024xf32, #tpu.memory_space<vmem>>
            %dma_wait3A_273 = arith.constant 0 : i32
            %dma_wait3A_274 = tpu.memref_slice %arg4[%dma_wait3A_269, %dma_wait3A_270, %add3A_18, %dma_wait3A_273] : memref<50x4x128x1024xf32, #tpu.memory_space<hbm>> -> memref<1x1x1x1024xf32, #tpu.memory_space<hbm>>
            %dma_wait3A_275 = tpu.memref_squeeze %dma_wait3A_274 : memref<1x1x1x1024xf32, #tpu.memory_space<hbm>> -> memref<1024xf32, #tpu.memory_space<hbm>>
            %dma_wait3A_276 = arith.constant 0 : i32
            %dma_wait3A_277 = tpu.memref_slice %arg4[%dma_wait3A_269, %dma_wait3A_270, %add3A_18, %dma_wait3A_276] : memref<50x4x128x1024xf32, #tpu.memory_space<hbm>> -> memref<1x1x1x1024xf32, #tpu.memory_space<hbm>>
            %dma_wait3A_278 = tpu.memref_squeeze %dma_wait3A_277 : memref<1x1x1x1024xf32, #tpu.memory_space<hbm>> -> memref<1024xf32, #tpu.memory_space<hbm>>
            %dma_wait3A_279 = arith.constant 3072 : i32
            %dma_wait3A_280 = tpu.memref_slice %arg10[%dma_wait3A_279] : memref<4096xf32, #tpu.memory_space<vmem>> -> memref<1024xf32, #tpu.memory_space<vmem>>
            tpu.wait_dma2 semaphore(%arg14 : memref<!tpu.dma_semaphore, #tpu.memory_space<semaphore_mem>>) src(%dma_wait3A_280 : memref<1024xf32, #tpu.memory_space<vmem>>) dst(%dma_wait3A_278 : memref<1024xf32, #tpu.memory_space<hbm>>)
          } else {
          }
          %mul3A_181 = arith.constant 128 : i32
          %mul3A_182 = arith.muli %add3A_174, %mul3A_181 : i32
          %parallel_loop3A_183 = arith.constant 0 : i32
          %parallel_loop3A_184 = arith.constant 128 : i32
          %parallel_loop3A_185 = arith.constant 1 : i32
          scf.for %parallel_loop3A_233 = %parallel_loop3A_183 to %parallel_loop3A_184 step %parallel_loop3A_185  : i32 {
            %parallel_loop3A_234 = arith.addi %mul3A_182, %parallel_loop3A_233 : i32
            %parallel_loop3A_235 = arith.index_cast %parallel_loop3A_234 : i32 to index
            %parallel_loop3A_236 = arith.constant 0 : index
            %parallel_loop3A_237 = tpu.vector_load %arg8[%parallel_loop3A_235, %parallel_loop3A_236] {strides = array<i32>} : memref<640x32xf32, #tpu.memory_space<vmem>>, vector<16xf32>,
            %parallel_loop3A_238 = arith.constant 0 : i32
            %parallel_loop3A_239 = arith.addi %parallel_loop3A_238, %parallel_loop3A_233 : i32
            %parallel_loop3A_240 = vector.broadcast %parallel_loop3A_239 : i32 to vector<16xi32>
            %parallel_loop3A_241 = arith.addi %mul3A_6, %parallel_loop3A_240 : vector<16xi32>
            %parallel_loop3A_242 = arith.constant 1.000000e+01 : f32
            %parallel_loop3A_243 = vector.broadcast %parallel_loop3A_242 : f32 to vector<16xf32>
            %parallel_loop3A_244 = arith.mulf %parallel_loop3A_237, %parallel_loop3A_243 : vector<16xf32>
            tpu.vector_store_idx %arg10[%parallel_loop3A_241], %parallel_loop3A_244 : memref<4096xf32, #tpu.memory_space<vmem>>[vector<16xi32>], vector<16xf32>,
            %parallel_loop3A_245 = arith.addi %mul3A_182, %parallel_loop3A_233 : i32
            %parallel_loop3A_246 = arith.index_cast %parallel_loop3A_245 : i32 to index
            %parallel_loop3A_247 = arith.constant 16 : index
            %parallel_loop3A_248 = tpu.vector_load %arg8[%parallel_loop3A_246, %parallel_loop3A_247] {strides = array<i32>} : memref<640x32xf32, #tpu.memory_space<vmem>>, vector<16xf32>,
            %parallel_loop3A_249 = arith.constant 2048 : i32
            %parallel_loop3A_250 = arith.addi %parallel_loop3A_249, %parallel_loop3A_233 : i32
            %parallel_loop3A_251 = vector.broadcast %parallel_loop3A_250 : i32 to vector<16xi32>
            %parallel_loop3A_252 = arith.addi %mul3A_6, %parallel_loop3A_251 : vector<16xi32>
            %parallel_loop3A_253 = arith.constant 1.000000e+01 : f32
            %parallel_loop3A_254 = vector.broadcast %parallel_loop3A_253 : f32 to vector<16xf32>
            %parallel_loop3A_255 = arith.mulf %parallel_loop3A_248, %parallel_loop3A_254 : vector<16xf32>
            tpu.vector_store_idx %arg10[%parallel_loop3A_252], %parallel_loop3A_255 : memref<4096xf32, #tpu.memory_space<vmem>>[vector<16xi32>], vector<16xf32>,
          } {sc.loop_unroll_factor = 16 : i64, sc.parallel_access}
          %mul3A_186 = arith.constant 5 : i32
          %mul3A_187 = arith.muli %add3A_158, %mul3A_186 : i32
          %add3A_188 = arith.addi %mul3A_187, %add3A_174 : i32
          %dma_start3A_189 = arith.constant 0 : i32
          %dma_start3A_190 = arith.constant 0 : i32
          %dma_start3A_191 = tpu.memref_slice %arg10[%dma_start3A_190] : memref<4096xf32, #tpu.memory_space<vmem>> -> memref<1024xf32, #tpu.memory_space<vmem>>
          %dma_start3A_192 = arith.constant 0 : i32
          %dma_start3A_193 = tpu.memref_slice %arg4[%add3A_188, %dma_start3A_189, %add3A_18, %dma_start3A_192] : memref<50x4x128x1024xf32, #tpu.memory_space<hbm>> -> memref<1x1x1x1024xf32, #tpu.memory_space<hbm>>
          %dma_start3A_194 = tpu.memref_squeeze %dma_start3A_193 : memref<1x1x1x1024xf32, #tpu.memory_space<hbm>> -> memref<1024xf32, #tpu.memory_space<hbm>>
          %dma_start3A_195 = arith.constant 0 : i32
          %dma_start3A_196 = tpu.memref_slice %arg4[%add3A_188, %dma_start3A_189, %add3A_18, %dma_start3A_195] : memref<50x4x128x1024xf32, #tpu.memory_space<hbm>> -> memref<1x1x1x1024xf32, #tpu.memory_space<hbm>>
          %dma_start3A_197 = tpu.memref_squeeze %dma_start3A_196 : memref<1x1x1x1024xf32, #tpu.memory_space<hbm>> -> memref<1024xf32, #tpu.memory_space<hbm>>
          %dma_start3A_198 = arith.constant 0 : i32
          %dma_start3A_199 = tpu.memref_slice %arg10[%dma_start3A_198] : memref<4096xf32, #tpu.memory_space<vmem>> -> memref<1024xf32, #tpu.memory_space<vmem>>
          tpu.enqueue_dma source(%dma_start3A_199 : memref<1024xf32, #tpu.memory_space<vmem>>) target(%dma_start3A_197 : memref<1024xf32, #tpu.memory_space<hbm>>) target_semaphore(%arg14 : memref<!tpu.dma_semaphore, #tpu.memory_space<semaphore_mem>>)
          %dma_start3A_200 = arith.constant 1 : i32
          %dma_start3A_201 = arith.constant 1024 : i32
          %dma_start3A_202 = tpu.memref_slice %arg10[%dma_start3A_201] : memref<4096xf32, #tpu.memory_space<vmem>> -> memref<1024xf32, #tpu.memory_space<vmem>>
          %dma_start3A_203 = arith.constant 0 : i32
          %dma_start3A_204 = tpu.memref_slice %arg4[%add3A_188, %dma_start3A_200, %add3A_18, %dma_start3A_203] : memref<50x4x128x1024xf32, #tpu.memory_space<hbm>> -> memref<1x1x1x1024xf32, #tpu.memory_space<hbm>>
          %dma_start3A_205 = tpu.memref_squeeze %dma_start3A_204 : memref<1x1x1x1024xf32, #tpu.memory_space<hbm>> -> memref<1024xf32, #tpu.memory_space<hbm>>
          %dma_start3A_206 = arith.constant 0 : i32
          %dma_start3A_207 = tpu.memref_slice %arg4[%add3A_188, %dma_start3A_200, %add3A_18, %dma_start3A_206] : memref<50x4x128x1024xf32, #tpu.memory_space<hbm>> -> memref<1x1x1x1024xf32, #tpu.memory_space<hbm>>
          %dma_start3A_208 = tpu.memref_squeeze %dma_start3A_207 : memref<1x1x1x1024xf32, #tpu.memory_space<hbm>> -> memref<1024xf32, #tpu.memory_space<hbm>>
          %dma_start3A_209 = arith.constant 1024 : i32
          %dma_start3A_210 = tpu.memref_slice %arg10[%dma_start3A_209] : memref<4096xf32, #tpu.memory_space<vmem>> -> memref<1024xf32, #tpu.memory_space<vmem>>
          tpu.enqueue_dma source(%dma_start3A_210 : memref<1024xf32, #tpu.memory_space<vmem>>) target(%dma_start3A_208 : memref<1024xf32, #tpu.memory_space<hbm>>) target_semaphore(%arg14 : memref<!tpu.dma_semaphore, #tpu.memory_space<semaphore_mem>>)
          %dma_start3A_211 = arith.constant 2 : i32
          %dma_start3A_212 = arith.constant 2048 : i32
          %dma_start3A_213 = tpu.memref_slice %arg10[%dma_start3A_212] : memref<4096xf32, #tpu.memory_space<vmem>> -> memref<1024xf32, #tpu.memory_space<vmem>>
          %dma_start3A_214 = arith.constant 0 : i32
          %dma_start3A_215 = tpu.memref_slice %arg4[%add3A_188, %dma_start3A_211, %add3A_18, %dma_start3A_214] : memref<50x4x128x1024xf32, #tpu.memory_space<hbm>> -> memref<1x1x1x1024xf32, #tpu.memory_space<hbm>>
          %dma_start3A_216 = tpu.memref_squeeze %dma_start3A_215 : memref<1x1x1x1024xf32, #tpu.memory_space<hbm>> -> memref<1024xf32, #tpu.memory_space<hbm>>
          %dma_start3A_217 = arith.constant 0 : i32
          %dma_start3A_218 = tpu.memref_slice %arg4[%add3A_188, %dma_start3A_211, %add3A_18, %dma_start3A_217] : memref<50x4x128x1024xf32, #tpu.memory_space<hbm>> -> memref<1x1x1x1024xf32, #tpu.memory_space<hbm>>
          %dma_start3A_219 = tpu.memref_squeeze %dma_start3A_218 : memref<1x1x1x1024xf32, #tpu.memory_space<hbm>> -> memref<1024xf32, #tpu.memory_space<hbm>>
          %dma_start3A_220 = arith.constant 2048 : i32
          %dma_start3A_221 = tpu.memref_slice %arg10[%dma_start3A_220] : memref<4096xf32, #tpu.memory_space<vmem>> -> memref<1024xf32, #tpu.memory_space<vmem>>
          tpu.enqueue_dma source(%dma_start3A_221 : memref<1024xf32, #tpu.memory_space<vmem>>) target(%dma_start3A_219 : memref<1024xf32, #tpu.memory_space<hbm>>) target_semaphore(%arg14 : memref<!tpu.dma_semaphore, #tpu.memory_space<semaphore_mem>>)
          %dma_start3A_222 = arith.constant 3 : i32
          %dma_start3A_223 = arith.constant 3072 : i32
          %dma_start3A_224 = tpu.memref_slice %arg10[%dma_start3A_223] : memref<4096xf32, #tpu.memory_space<vmem>> -> memref<1024xf32, #tpu.memory_space<vmem>>
          %dma_start3A_225 = arith.constant 0 : i32
          %dma_start3A_226 = tpu.memref_slice %arg4[%add3A_188, %dma_start3A_222, %add3A_18, %dma_start3A_225] : memref<50x4x128x1024xf32, #tpu.memory_space<hbm>> -> memref<1x1x1x1024xf32, #tpu.memory_space<hbm>>
          %dma_start3A_227 = tpu.memref_squeeze %dma_start3A_226 : memref<1x1x1x1024xf32, #tpu.memory_space<hbm>> -> memref<1024xf32, #tpu.memory_space<hbm>>
          %dma_start3A_228 = arith.constant 0 : i32
          %dma_start3A_229 = tpu.memref_slice %arg4[%add3A_188, %dma_start3A_222, %add3A_18, %dma_start3A_228] : memref<50x4x128x1024xf32, #tpu.memory_space<hbm>> -> memref<1x1x1x1024xf32, #tpu.memory_space<hbm>>
          %dma_start3A_230 = tpu.memref_squeeze %dma_start3A_229 : memref<1x1x1x1024xf32, #tpu.memory_space<hbm>> -> memref<1024xf32, #tpu.memory_space<hbm>>
          %dma_start3A_231 = arith.constant 3072 : i32
          %dma_start3A_232 = tpu.memref_slice %arg10[%dma_start3A_231] : memref<4096xf32, #tpu.memory_space<vmem>> -> memref<1024xf32, #tpu.memory_space<vmem>>
          tpu.enqueue_dma source(%dma_start3A_232 : memref<1024xf32, #tpu.memory_space<vmem>>) target(%dma_start3A_230 : memref<1024xf32, #tpu.memory_space<hbm>>) target_semaphore(%arg14 : memref<!tpu.dma_semaphore, #tpu.memory_space<semaphore_mem>>)
        }
        %scan3A_169 = arith.constant 5 : i32
      }
      %scan3A_31 = arith.constant 5 : i32
      %dma_wait3A = arith.constant 0 : i32
      %dma_wait3A_32 = arith.constant 0 : i32
      %dma_wait3A_33 = arith.constant 0 : i32
      %dma_wait3A_34 = tpu.memref_slice %arg9[%dma_wait3A_33] : memref<4096xf32, #tpu.memory_space<vmem>> -> memref<1024xf32, #tpu.memory_space<vmem>>
      %dma_wait3A_35 = arith.constant 0 : i32
      %dma_wait3A_36 = tpu.memref_slice %arg4[%dma_wait3A, %dma_wait3A_32, %add3A_18, %dma_wait3A_35] : memref<50x4x128x1024xf32, #tpu.memory_space<hbm>> -> memref<1x1x1x1024xf32, #tpu.memory_space<hbm>>
      %dma_wait3A_37 = tpu.memref_squeeze %dma_wait3A_36 : memref<1x1x1x1024xf32, #tpu.memory_space<hbm>> -> memref<1024xf32, #tpu.memory_space<hbm>>
      %dma_wait3A_38 = arith.constant 0 : i32
      %dma_wait3A_39 = tpu.memref_slice %arg4[%dma_wait3A, %dma_wait3A_32, %add3A_18, %dma_wait3A_38] : memref<50x4x128x1024xf32, #tpu.memory_space<hbm>> -> memref<1x1x1x1024xf32, #tpu.memory_space<hbm>>
      %dma_wait3A_40 = tpu.memref_squeeze %dma_wait3A_39 : memref<1x1x1x1024xf32, #tpu.memory_space<hbm>> -> memref<1024xf32, #tpu.memory_space<hbm>>
      %dma_wait3A_41 = arith.constant 0 : i32
      %dma_wait3A_42 = tpu.memref_slice %arg9[%dma_wait3A_41] : memref<4096xf32, #tpu.memory_space<vmem>> -> memref<1024xf32, #tpu.memory_space<vmem>>
      tpu.wait_dma2 semaphore(%arg13 : memref<!tpu.dma_semaphore, #tpu.memory_space<semaphore_mem>>) src(%dma_wait3A_42 : memref<1024xf32, #tpu.memory_space<vmem>>) dst(%dma_wait3A_40 : memref<1024xf32, #tpu.memory_space<hbm>>)
      %dma_wait3A_43 = arith.constant 0 : i32
      %dma_wait3A_44 = arith.constant 1 : i32
      %dma_wait3A_45 = arith.constant 1024 : i32
      %dma_wait3A_46 = tpu.memref_slice %arg9[%dma_wait3A_45] : memref<4096xf32, #tpu.memory_space<vmem>> -> memref<1024xf32, #tpu.memory_space<vmem>>
      %dma_wait3A_47 = arith.constant 0 : i32
      %dma_wait3A_48 = tpu.memref_slice %arg4[%dma_wait3A_43, %dma_wait3A_44, %add3A_18, %dma_wait3A_47] : memref<50x4x128x1024xf32, #tpu.memory_space<hbm>> -> memref<1x1x1x1024xf32, #tpu.memory_space<hbm>>
      %dma_wait3A_49 = tpu.memref_squeeze %dma_wait3A_48 : memref<1x1x1x1024xf32, #tpu.memory_space<hbm>> -> memref<1024xf32, #tpu.memory_space<hbm>>
      %dma_wait3A_50 = arith.constant 0 : i32
      %dma_wait3A_51 = tpu.memref_slice %arg4[%dma_wait3A_43, %dma_wait3A_44, %add3A_18, %dma_wait3A_50] : memref<50x4x128x1024xf32, #tpu.memory_space<hbm>> -> memref<1x1x1x1024xf32, #tpu.memory_space<hbm>>
      %dma_wait3A_52 = tpu.memref_squeeze %dma_wait3A_51 : memref<1x1x1x1024xf32, #tpu.memory_space<hbm>> -> memref<1024xf32, #tpu.memory_space<hbm>>
      %dma_wait3A_53 = arith.constant 1024 : i32
      %dma_wait3A_54 = tpu.memref_slice %arg9[%dma_wait3A_53] : memref<4096xf32, #tpu.memory_space<vmem>> -> memref<1024xf32, #tpu.memory_space<vmem>>
      tpu.wait_dma2 semaphore(%arg13 : memref<!tpu.dma_semaphore, #tpu.memory_space<semaphore_mem>>) src(%dma_wait3A_54 : memref<1024xf32, #tpu.memory_space<vmem>>) dst(%dma_wait3A_52 : memref<1024xf32, #tpu.memory_space<hbm>>)
      %dma_wait3A_55 = arith.constant 0 : i32
      %dma_wait3A_56 = arith.constant 2 : i32
      %dma_wait3A_57 = arith.constant 2048 : i32
      %dma_wait3A_58 = tpu.memref_slice %arg9[%dma_wait3A_57] : memref<4096xf32, #tpu.memory_space<vmem>> -> memref<1024xf32, #tpu.memory_space<vmem>>
      %dma_wait3A_59 = arith.constant 0 : i32
      %dma_wait3A_60 = tpu.memref_slice %arg4[%dma_wait3A_55, %dma_wait3A_56, %add3A_18, %dma_wait3A_59] : memref<50x4x128x1024xf32, #tpu.memory_space<hbm>> -> memref<1x1x1x1024xf32, #tpu.memory_space<hbm>>
      %dma_wait3A_61 = tpu.memref_squeeze %dma_wait3A_60 : memref<1x1x1x1024xf32, #tpu.memory_space<hbm>> -> memref<1024xf32, #tpu.memory_space<hbm>>
      %dma_wait3A_62 = arith.constant 0 : i32
      %dma_wait3A_63 = tpu.memref_slice %arg4[%dma_wait3A_55, %dma_wait3A_56, %add3A_18, %dma_wait3A_62] : memref<50x4x128x1024xf32, #tpu.memory_space<hbm>> -> memref<1x1x1x1024xf32, #tpu.memory_space<hbm>>
      %dma_wait3A_64 = tpu.memref_squeeze %dma_wait3A_63 : memref<1x1x1x1024xf32, #tpu.memory_space<hbm>> -> memref<1024xf32, #tpu.memory_space<hbm>>
      %dma_wait3A_65 = arith.constant 2048 : i32
      %dma_wait3A_66 = tpu.memref_slice %arg9[%dma_wait3A_65] : memref<4096xf32, #tpu.memory_space<vmem>> -> memref<1024xf32, #tpu.memory_space<vmem>>
      tpu.wait_dma2 semaphore(%arg13 : memref<!tpu.dma_semaphore, #tpu.memory_space<semaphore_mem>>) src(%dma_wait3A_66 : memref<1024xf32, #tpu.memory_space<vmem>>) dst(%dma_wait3A_64 : memref<1024xf32, #tpu.memory_space<hbm>>)
      %dma_wait3A_67 = arith.constant 0 : i32
      %dma_wait3A_68 = arith.constant 3 : i32
      %dma_wait3A_69 = arith.constant 3072 : i32
      %dma_wait3A_70 = tpu.memref_slice %arg9[%dma_wait3A_69] : memref<4096xf32, #tpu.memory_space<vmem>> -> memref<1024xf32, #tpu.memory_space<vmem>>
      %dma_wait3A_71 = arith.constant 0 : i32
      %dma_wait3A_72 = tpu.memref_slice %arg4[%dma_wait3A_67, %dma_wait3A_68, %add3A_18, %dma_wait3A_71] : memref<50x4x128x1024xf32, #tpu.memory_space<hbm>> -> memref<1x1x1x1024xf32, #tpu.memory_space<hbm>>
      %dma_wait3A_73 = tpu.memref_squeeze %dma_wait3A_72 : memref<1x1x1x1024xf32, #tpu.memory_space<hbm>> -> memref<1024xf32, #tpu.memory_space<hbm>>
      %dma_wait3A_74 = arith.constant 0 : i32
      %dma_wait3A_75 = tpu.memref_slice %arg4[%dma_wait3A_67, %dma_wait3A_68, %add3A_18, %dma_wait3A_74] : memref<50x4x128x1024xf32, #tpu.memory_space<hbm>> -> memref<1x1x1x1024xf32, #tpu.memory_space<hbm>>
      %dma_wait3A_76 = tpu.memref_squeeze %dma_wait3A_75 : memref<1x1x1x1024xf32, #tpu.memory_space<hbm>> -> memref<1024xf32, #tpu.memory_space<hbm>>
      %dma_wait3A_77 = arith.constant 3072 : i32
      %dma_wait3A_78 = tpu.memref_slice %arg9[%dma_wait3A_77] : memref<4096xf32, #tpu.memory_space<vmem>> -> memref<1024xf32, #tpu.memory_space<vmem>>
      tpu.wait_dma2 semaphore(%arg13 : memref<!tpu.dma_semaphore, #tpu.memory_space<semaphore_mem>>) src(%dma_wait3A_78 : memref<1024xf32, #tpu.memory_space<vmem>>) dst(%dma_wait3A_76 : memref<1024xf32, #tpu.memory_space<hbm>>)
      %dma_wait3A_79 = arith.constant 0 : i32
      %dma_wait3A_80 = arith.constant 0 : i32
      %dma_wait3A_81 = arith.constant 0 : i32
      %dma_wait3A_82 = tpu.memref_slice %arg10[%dma_wait3A_81] : memref<4096xf32, #tpu.memory_space<vmem>> -> memref<1024xf32, #tpu.memory_space<vmem>>
      %dma_wait3A_83 = arith.constant 0 : i32
      %dma_wait3A_84 = tpu.memref_slice %arg4[%dma_wait3A_79, %dma_wait3A_80, %add3A_18, %dma_wait3A_83] : memref<50x4x128x1024xf32, #tpu.memory_space<hbm>> -> memref<1x1x1x1024xf32, #tpu.memory_space<hbm>>
      %dma_wait3A_85 = tpu.memref_squeeze %dma_wait3A_84 : memref<1x1x1x1024xf32, #tpu.memory_space<hbm>> -> memref<1024xf32, #tpu.memory_space<hbm>>
      %dma_wait3A_86 = arith.constant 0 : i32
      %dma_wait3A_87 = tpu.memref_slice %arg4[%dma_wait3A_79, %dma_wait3A_80, %add3A_18, %dma_wait3A_86] : memref<50x4x128x1024xf32, #tpu.memory_space<hbm>> -> memref<1x1x1x1024xf32, #tpu.memory_space<hbm>>
      %dma_wait3A_88 = tpu.memref_squeeze %dma_wait3A_87 : memref<1x1x1x1024xf32, #tpu.memory_space<hbm>> -> memref<1024xf32, #tpu.memory_space<hbm>>
      %dma_wait3A_89 = arith.constant 0 : i32
      %dma_wait3A_90 = tpu.memref_slice %arg10[%dma_wait3A_89] : memref<4096xf32, #tpu.memory_space<vmem>> -> memref<1024xf32, #tpu.memory_space<vmem>>
      tpu.wait_dma2 semaphore(%arg14 : memref<!tpu.dma_semaphore, #tpu.memory_space<semaphore_mem>>) src(%dma_wait3A_90 : memref<1024xf32, #tpu.memory_space<vmem>>) dst(%dma_wait3A_88 : memref<1024xf32, #tpu.memory_space<hbm>>)
      %dma_wait3A_91 = arith.constant 0 : i32
      %dma_wait3A_92 = arith.constant 1 : i32
      %dma_wait3A_93 = arith.constant 1024 : i32
      %dma_wait3A_94 = tpu.memref_slice %arg10[%dma_wait3A_93] : memref<4096xf32, #tpu.memory_space<vmem>> -> memref<1024xf32, #tpu.memory_space<vmem>>
      %dma_wait3A_95 = arith.constant 0 : i32
      %dma_wait3A_96 = tpu.memref_slice %arg4[%dma_wait3A_91, %dma_wait3A_92, %add3A_18, %dma_wait3A_95] : memref<50x4x128x1024xf32, #tpu.memory_space<hbm>> -> memref<1x1x1x1024xf32, #tpu.memory_space<hbm>>
      %dma_wait3A_97 = tpu.memref_squeeze %dma_wait3A_96 : memref<1x1x1x1024xf32, #tpu.memory_space<hbm>> -> memref<1024xf32, #tpu.memory_space<hbm>>
      %dma_wait3A_98 = arith.constant 0 : i32
      %dma_wait3A_99 = tpu.memref_slice %arg4[%dma_wait3A_91, %dma_wait3A_92, %add3A_18, %dma_wait3A_98] : memref<50x4x128x1024xf32, #tpu.memory_space<hbm>> -> memref<1x1x1x1024xf32, #tpu.memory_space<hbm>>
      %dma_wait3A_100 = tpu.memref_squeeze %dma_wait3A_99 : memref<1x1x1x1024xf32, #tpu.memory_space<hbm>> -> memref<1024xf32, #tpu.memory_space<hbm>>
      %dma_wait3A_101 = arith.constant 1024 : i32
      %dma_wait3A_102 = tpu.memref_slice %arg10[%dma_wait3A_101] : memref<4096xf32, #tpu.memory_space<vmem>> -> memref<1024xf32, #tpu.memory_space<vmem>>
      tpu.wait_dma2 semaphore(%arg14 : memref<!tpu.dma_semaphore, #tpu.memory_space<semaphore_mem>>) src(%dma_wait3A_102 : memref<1024xf32, #tpu.memory_space<vmem>>) dst(%dma_wait3A_100 : memref<1024xf32, #tpu.memory_space<hbm>>)
      %dma_wait3A_103 = arith.constant 0 : i32
      %dma_wait3A_104 = arith.constant 2 : i32
      %dma_wait3A_105 = arith.constant 2048 : i32
      %dma_wait3A_106 = tpu.memref_slice %arg10[%dma_wait3A_105] : memref<4096xf32, #tpu.memory_space<vmem>> -> memref<1024xf32, #tpu.memory_space<vmem>>
      %dma_wait3A_107 = arith.constant 0 : i32
      %dma_wait3A_108 = tpu.memref_slice %arg4[%dma_wait3A_103, %dma_wait3A_104, %add3A_18, %dma_wait3A_107] : memref<50x4x128x1024xf32, #tpu.memory_space<hbm>> -> memref<1x1x1x1024xf32, #tpu.memory_space<hbm>>
      %dma_wait3A_109 = tpu.memref_squeeze %dma_wait3A_108 : memref<1x1x1x1024xf32, #tpu.memory_space<hbm>> -> memref<1024xf32, #tpu.memory_space<hbm>>
      %dma_wait3A_110 = arith.constant 0 : i32
      %dma_wait3A_111 = tpu.memref_slice %arg4[%dma_wait3A_103, %dma_wait3A_104, %add3A_18, %dma_wait3A_110] : memref<50x4x128x1024xf32, #tpu.memory_space<hbm>> -> memref<1x1x1x1024xf32, #tpu.memory_space<hbm>>
      %dma_wait3A_112 = tpu.memref_squeeze %dma_wait3A_111 : memref<1x1x1x1024xf32, #tpu.memory_space<hbm>> -> memref<1024xf32, #tpu.memory_space<hbm>>
      %dma_wait3A_113 = arith.constant 2048 : i32
      %dma_wait3A_114 = tpu.memref_slice %arg10[%dma_wait3A_113] : memref<4096xf32, #tpu.memory_space<vmem>> -> memref<1024xf32, #tpu.memory_space<vmem>>
      tpu.wait_dma2 semaphore(%arg14 : memref<!tpu.dma_semaphore, #tpu.memory_space<semaphore_mem>>) src(%dma_wait3A_114 : memref<1024xf32, #tpu.memory_space<vmem>>) dst(%dma_wait3A_112 : memref<1024xf32, #tpu.memory_space<hbm>>)
      %dma_wait3A_115 = arith.constant 0 : i32
      %dma_wait3A_116 = arith.constant 3 : i32
      %dma_wait3A_117 = arith.constant 3072 : i32
      %dma_wait3A_118 = tpu.memref_slice %arg10[%dma_wait3A_117] : memref<4096xf32, #tpu.memory_space<vmem>> -> memref<1024xf32, #tpu.memory_space<vmem>>
      %dma_wait3A_119 = arith.constant 0 : i32
      %dma_wait3A_120 = tpu.memref_slice %arg4[%dma_wait3A_115, %dma_wait3A_116, %add3A_18, %dma_wait3A_119] : memref<50x4x128x1024xf32, #tpu.memory_space<hbm>> -> memref<1x1x1x1024xf32, #tpu.memory_space<hbm>>
      %dma_wait3A_121 = tpu.memref_squeeze %dma_wait3A_120 : memref<1x1x1x1024xf32, #tpu.memory_space<hbm>> -> memref<1024xf32, #tpu.memory_space<hbm>>
      %dma_wait3A_122 = arith.constant 0 : i32
      %dma_wait3A_123 = tpu.memref_slice %arg4[%dma_wait3A_115, %dma_wait3A_116, %add3A_18, %dma_wait3A_122] : memref<50x4x128x1024xf32, #tpu.memory_space<hbm>> -> memref<1x1x1x1024xf32, #tpu.memory_space<hbm>>
      %dma_wait3A_124 = tpu.memref_squeeze %dma_wait3A_123 : memref<1x1x1x1024xf32, #tpu.memory_space<hbm>> -> memref<1024xf32, #tpu.memory_space<hbm>>
      %dma_wait3A_125 = arith.constant 3072 : i32
      %dma_wait3A_126 = tpu.memref_slice %arg10[%dma_wait3A_125] : memref<4096xf32, #tpu.memory_space<vmem>> -> memref<1024xf32, #tpu.memory_space<vmem>>
      tpu.wait_dma2 semaphore(%arg14 : memref<!tpu.dma_semaphore, #tpu.memory_space<semaphore_mem>>) src(%dma_wait3A_126 : memref<1024xf32, #tpu.memory_space<vmem>>) dst(%dma_wait3A_124 : memref<1024xf32, #tpu.memory_space<hbm>>)
    }
    %scan3A_10 = arith.constant 4 : i32
    return
  }
}

</mosaic_0001>

<sc_bundles>
// kernel: _scaled_embedding.3.cloned.1.call-start
scs
__scs_entry_jumppad:
0x0: {  	(pc) =	sbr.rel $0x88, $3  }
0x1: {  	(tag) =	ssettag $0x0;
	lr =	simm.s32 $0x1  }
0x2: {  	[smem:$0x3F9F] =	sst lr;
	_ =	strace $0xD0000000  }
0x3: {  	_ = 	snop  }
0x4: {  	_ = 	snop  }
0x5: {  	_ = 	snop  }
0x6: {  	_ = 	snop  }
0x7: {  	_ = 	snop  }
__scs_overlays_trampoline_lowered:
0x8: {  	[smem:$0x3FAE] =	sst s0  }
0x9: {  	[smem:$0x3FAF] =	sst s1  }
0xa: {  	[smem:$0x3FB0] =	sst s2  }
0xb: {  	[smem:$0x3FB1] =	sst s3  }
0xc: {  	[smem:$0x3FB2] =	sst s4  }
0xd: {  	[smem:$0x3FB3] =	sst s5  }
0xe: {  	[smem:$0x3FB4] =	sst s6  }
0xf: {  	[smem:$0x3FB5] =	sst s7  }
0x10: {  	[smem:$0x3FB6] =	sst s8  }
0x11: {  	[smem:$0x3FB7] =	sst s9;
	s0 =	simm.s32 @!p0 $0x0  }
0x12: {  	s1 =	sld [smem:$0x3F9D];
	s0 =	simm.s32 @p0 $0x1  }
0x13: {  	[smem:$0x3FB8] =	sst s0;
	s0 =	simm.s32 @!p1 $0x0  }
0x14: {  	s2 =	sld [smem:$0x3F9C];
	s0 =	simm.s32 @p1 $0x1  }
0x15: {  	[smem:$0x3FB9] =	sst s0;
	s0 =	simm.s32 @!p2 $0x0  }
0x16: {  	s3 =	sld [smem:$0x3FDB];
	s0 =	simm.s32 @p2 $0x1  }
0x17: {  	s4 =	simm.s32 $0x1BF5;
	[smem:$0x3FBB] =	sst s0  }
0x18: {  	s0 =	sld [smem:$0x3F9E];
	_ =	swait.ge [sflag:s4], $0x0  }
0x19: {  	s7 =	sld [smem:$0x3F9F]  }
0x1a: {  	s8 =	sadd.s32 $0xFFFFE003, lr  }
0x1b: {  	s9 =	sadd.s32 $0xFFFFFEF7, lr;
	s5 =	simm.s32 $0xFFFFFFFF;
	p2 =	slt.u32 s8, $0xFFFFF086  }
0x1c: {  	p1 =	slt.u32 s9, $0xF7A;
	s5 =	simm.s32 @!p2 $0x0  }
0x1d: {  	s5 =	simm.s32 @p1 $0x1;
	p0 =	seq.s32 s7, s2  }
0x1e: {  	s7 =	smul.u32 @!p0 $0xF7A, s2;
	p2 =	seq.s32 @!p0 s5, $0x0  }
0x1f: {  	s9 =	smul.u32 $0xF7A, s1;
	s8 =	simm.s32 @!p0 $0x1BF5;
	p2 =	por !p2, p0  }
0x20: {  	[sflag:s8] =	ssyncset.s32 @!p0 $0xFFFFF086;
	s6 =	sadd.s32 @!p0 s3, s7;
	s7 =	simm.s32 @!p0 $0x108  }
0x21: {  	s3 =	sadd.s32 s3, s9;
	s6 =	sadd.s32 @!p0 $0x88, s6;
	s7 =	simm.s32 @p2 $0x1082  }
0x22: {  	[simem:s7], [sflag:s8] =	dma.local @!p0 [hbm:s6], $0xF7A  }
0x23: {  	s9 =	sor.u32 $0xD0000000, s2;
	s6 =	simm.s32 $0x108;
	_ =	swait.ge @!p0 [sflag:s8], $0x0  }
0x24: {  	s3 =	sadd.s32 $0x88, s3;
	s6 =	simm.s32 @!p1 $0x1082;
	[sflag:s4] =	ssyncset.s32 $0xFFFFF086  }
0x25: {  	[simem:s6], [sflag:s4] =	dma.local [hbm:s3], $0xF7A  }
0x26: {  	[smem:$0x3F9F] =	sst s1;
	(tag) =	ssettag s2;
	_ =	strace s9  }
0x27: {  	s1 =	sld [smem:$0x3FAF]  }
0x28: {  	s2 =	sld [smem:$0x3FB0]  }
0x29: {  	s4 =	sld [smem:$0x3FB2]  }
0x2a: {  	p0 =	seq.s32 s5, $0x0;
	s5 =	sld [smem:$0x3FB3]  }
0x2b: {  	s6 =	sld [smem:$0x3FB4]  }
0x2c: {  	s7 =	sld [smem:$0x3FB5]  }
0x2d: {  	s3 =	simm.s32 $0x108;
	s8 =	sld [smem:$0x3FB6]  }
0x2e: {  	s3 =	simm.s32 @!p0 $0x1082;
	s9 =	sld [smem:$0x3FB7]  }
0x2f: {  	lr =	sadd.s32 s0, s3;
	s0 =	sld [smem:$0x3FAE]  }
0x30: {  	s3 =	sld [smem:$0x3FB1]  }
0x31: {  	[smem:$0x3FBA] =	sst s10  }
0x32: {  	s10 =	sld [smem:$0x3FB8];
	_ =	sdelay $0x3  }
0x33: {  	p0 =	seq.s32 s10, $0x1;
	s10 =	sld [smem:$0x3FBA];
	_ =	sdelay $0x3  }
0x34: {  	[smem:$0x3FBA] =	sst s10  }
0x35: {  	s10 =	sld [smem:$0x3FB9];
	_ =	sdelay $0x3  }
0x36: {  	p1 =	seq.s32 s10, $0x1;
	s10 =	sld [smem:$0x3FBA];
	_ =	sdelay $0x3  }
0x37: {  	[smem:$0x3FBA] =	sst s10  }
0x38: {  	s10 =	sld [smem:$0x3FBB]  }
0x39: {  	_ = 	snop;
	(pc) =	sbr.ind lr, $3  }
0x3a: {  	_ = 	snop  }
0x3b: {  	_ = 	snop  }
0x3c: {  	p2 =	seq.s32 s10, $0x1;
	s10 =	sld [smem:$0x3FBA]  }
0x3d: {  	_ =	shalt  }
0x3e: {  	_ =	shalt  }
0x3f: {  	_ =	shalt  }
0x40: {  	_ =	shalt  }
0x41: {  	_ =	shalt  }
0x42: {  	_ =	shalt  }
0x43: {  	_ =	shalt  }
0x44: {  	_ =	shalt  }
0x45: {  	_ =	shalt  }
0x46: {  	_ =	shalt  }
0x47: {  	_ =	shalt  }
0x48: {  	_ =	shalt  }
0x49: {  	_ =	shalt  }
0x4a: {  	_ =	shalt  }
0x4b: {  	_ =	shalt  }
0x4c: {  	_ =	shalt  }
0x4d: {  	_ =	shalt  }
0x4e: {  	_ =	shalt  }
0x4f: {  	_ =	shalt  }
0x50: {  	_ =	shalt  }
0x51: {  	_ =	shalt  }
0x52: {  	_ =	shalt  }
0x53: {  	_ =	shalt  }
0x54: {  	_ =	shalt  }
0x55: {  	_ =	shalt  }
0x56: {  	_ =	shalt  }
0x57: {  	_ =	shalt  }
0x58: {  	_ =	shalt  }
0x59: {  	_ =	shalt  }
0x5a: {  	_ =	shalt  }
0x5b: {  	_ =	shalt  }
0x5c: {  	_ =	shalt  }
0x5d: {  	_ =	shalt  }
0x5e: {  	_ =	shalt  }
0x5f: {  	_ =	shalt  }
0x60: {  	_ =	shalt  }
0x61: {  	_ =	shalt  }
0x62: {  	_ =	shalt  }
0x63: {  	_ =	shalt  }
0x64: {  	_ =	shalt  }
0x65: {  	_ =	shalt  }
0x66: {  	_ =	shalt  }
0x67: {  	_ =	shalt  }
0x68: {  	_ =	shalt  }
0x69: {  	_ =	shalt  }
0x6a: {  	_ =	shalt  }
0x6b: {  	_ =	shalt  }
0x6c: {  	_ =	shalt  }
0x6d: {  	_ =	shalt  }
0x6e: {  	_ =	shalt  }
0x6f: {  	_ =	shalt  }
0x70: {  	_ =	shalt  }
0x71: {  	_ =	shalt  }
0x72: {  	_ =	shalt  }
0x73: {  	_ =	shalt  }
0x74: {  	_ =	shalt  }
0x75: {  	_ =	shalt  }
0x76: {  	_ =	shalt  }
0x77: {  	_ =	shalt  }
0x78: {  	_ =	shalt  }
0x79: {  	_ =	shalt  }
0x7a: {  	_ =	shalt  }
0x7b: {  	_ =	shalt  }
0x7c: {  	_ =	shalt  }
0x7d: {  	_ =	shalt  }
0x7e: {  	_ =	shalt  }
0x7f: {  	_ =	shalt  }
0x80: {  	_ =	shalt  }
0x81: {  	_ =	shalt  }
0x82: {  	_ =	shalt  }
0x83: {  	_ =	shalt  }
0x84: {  	_ =	shalt  }
0x85: {  	_ =	shalt  }
0x86: {  	_ =	shalt  }
0x87: {  	_ =	shalt  }
.Lfunc_end0:
.L_simem_size_0:
called_computation_lowered:
.L_overlay_start_0:
0x88: {  	s2 =	sld [smem:$0x3FD9]  }
0x89: {  	s3 =	sld [smem:$0x3FFE];
	_ =	sdelay $0x1  }
0x8a: {  	s1 =	srdreg.scid  }
0x8b: {  	s0 =	sand.u32 $0x1, s1  }
0x8c: {  	s17 =	sshll.u32 s0, $0xA;
	s2 =	sadd.s32 s3, s2  }
0x8d: {  	s2 =	sadd.s32 s2, s17  }
0x8e: {  	[smem:$0x3FC6] =	sst s2  }
0x8f: {  	_ = 	snop  }
0x90: {  	s2 =	sld [smem:$0x3FD0];
	(tm) =	ssettm $0x1  }
0x91: {  	s18 =	sld [smem:$0x3FFB];
	_ =	sdelay $0x3  }
0x92: {  	_ =	strace s18  }
0x93: {  	s3 =	sld [smem:$0x3FFC];
	_ =	sdelay $0x3  }
0x94: {  	_ =	strace s3  }
0x95: {  	s3 =	sld [smem:$0x3FFD];
	_ =	sdelay $0x3  }
0x96: {  	_ =	strace s3  }
0x97: {  	_ =	strace $0x8FFFFFFF  }
0x98: {  	s19 =	sld [smem:$0x3FDB];
	_ =	sdelay $0x1  }
0x99: {  	s4 =	simm.s32 $_scs_section_size  }
0x9a: {  	s5 =	simm.s32 $_size__tile_overlayer_lowered;
	s6 =	simm.s32 $_tile_overlayer_lowered  }
0x9b: {  	s22 =	simm.s32 $0x1BFF;
	s21 =	sshll.u32 s6, $0x1;
	s3 =	sadd.s32 s4, s19  }
0x9c: {  	s7 =	simm.s32 $0x0;
	s20 =	sshll.u32 s5, $0x1;
	s5 =	sadd.s32 s21, s3  }
0x9d: {  	[timem:s7], [sflag:s22] =	dma.local [hbm:s5], s20  }
0x9e: {  	_ =	swait.ge [sflag:s22], s20  }
0x9f: {  	s4 =	ssub.s32 $0x0, s20;
	[sflag:s22] =	ssyncset.done $0x0  }
0xa0: {  	[sflag:s22] =	ssyncadd.s32 s4;
	_ =	sdelay $0x1  }
0xa1: {  	s23 =	simm.s32 $0x1B8B  }
0xa2: {  	_ =	swait.ge [sflag:s23], $0x1  }
0xa3: {  	[sflag:s23] =	ssyncset.done $0x0  }
0xa4: {  	s25 =	simm.s32 $0x1B8E;
	s24 =	sld [smem:$0x3FFE];
	[sflag:s23] =	ssyncadd.s32 $0xFFFFFFFF  }
0xa5: {  	s26 =	simm.s32 $execute0_lowered;
	[smem:$0x3FD2] =	sst s25  }
0xa6: {  	s5 =	sshll.u32 s26, $0x1;
	_ =	strace $0x80000046;
	[dreg:$0x1] =	wrdreg $0xFFFFFFFF  }
0xa7: {  	s28 =	simm.s32 $_size_execute0_lowered;
	s3 =	sadd.s32 s3, s5;
	[dreg:$0x0] =	wrdreg $0x0  }
0xa8: {  	s5 =	sshll.u32 s28, $0x1;
	[dreg:$0x2] =	wrdreg s3  }
0xa9: {  	[dreg:$0x3] =	wrdreg s5  }
0xaa: {  	[dreg:$0x4] =	wrdreg $0xC0  }
0xab: {  	_ =	task [dreg:s7], $0x5FFFF  }
0xac: {  	[dreg:$0x1] =	wrdreg $0xFFFFFFFF  }
0xad: {  	[dreg:$0x0] =	wrdreg $0x60  }
0xae: {  	[dreg:$0x2] =	wrdreg s24  }
0xaf: {  	[dreg:$0x3] =	wrdreg s2  }
0xb0: {  	[dreg:$0x4] =	wrdreg $0x9  }
0xb1: {  	_ =	task.clear_ibuf [dreg:s7], $0x5FFFF;
	_ =	strace $0x90000046  }
0xb2: {  	s29 =	simm.s32 $0x9;
	_ =	strace $0x80000048  }
0xb3: {  	_ =	swait.ge [sflag:s29], $0x1  }
0xb4: {  	[sflag:s29] =	ssyncadd.s32 $0xFFFFFFFF  }
0xb5: {  	_ =	strace $0x90000048  }
0xb6: {  	_ =	sfence  }
0xb7: {  	s30 =	sld [smem:$0x0];
	_ =	sdelay $0x2  }
0xb8: {  	s31 =	sshll.u32 s1, $0xD;
	s1 =	sshrl.u32 s1, $0x2  }
0xb9: {  	s3 =	sand.u32 $0x4000, s31;
	s1 =	sadd.s32 s1, s30  }
0xba: {  	s0 =	sor.u32 s3, s0;
	s1 =	sshll.u32 s1, $0x11  }
0xbb: {  	s0 =	sor.u32 s1, s0  }
0xbc: {  	s0 =	sadd.s32 $0x8F2B, s0  }
0xbd: {  	[sflag:s0] =	ssyncadd.remote.s32 $0x1  }
0xbe: {  	_ =	sfence.sel $0xFFFF  }
0xbf: {  	[dreg:$0x0] =	wrdreg $0xFFFFFFFF;
	(pc) =	sbr.abs _section_cstart, $3  }
0xc0: {  	[dreg:$0x1] =	wrdreg $0xFFFFFFFF  }
0xc1: {  	_ =	task.clear_ibuf [dreg:s7], $0x2FFFF;
	_ =	strace $0x9FFFFFFF  }
0xc2: {  	(tm) =	ssettm $0x7FFFFFFF  }
0xc3: {  	_ =	shalt  }
tec
execute0_lowered:
.L_overlay_start_1:
0x0: {  	(tag) =	ssettag $0x1  }
0x1: {  	s0 =	rddreg [dreg:$0x0]  }
0x2: {  	s1 =	rddreg [dreg:$0x1];
	s2 =	simm.s32 $0x0;
	s3 =	srdreg.scid  }
0x3: {  	s6 =	stileid.u32;
	s9 =	simm.s32 $0x280;
	s12 =	simm.s32 $0x8200  }
0x4: {  	s13 =	simm.s32 $0x1;
	s14 =	simm.s32 $0xD200;
	s15 =	simm.s32 $0xD600  }
0x5: {  	s16 =	simm.s32 $0xDA00;
	s17 =	simm.s32 $0xDE00;
	s18 =	simm.s32 $0x2  }
0x6: {  	s19 =	simm.s32 $0xE200;
	s20 =	simm.s32 $0xE600;
	s21 =	simm.s32 $0xEA00  }
0x7: {  	s22 =	simm.s32 $0xEE00;
	[smem:$0x7FF] =	sst s2;
	s3 =	sand.u32 $0x1, s3  }
0x8: {  	s5 =	sadd.s32 $0x600, s0;
	s6 =	sshll.u32 s6, $0x3;
	s4 =	ssub.s32 $0x2, s3  }
0x9: {  	_ =	strace $0x80000047;
	s3 =	sshll.u32 s3, $0x2;
	s29 =	sshrl.u32 s4, $0x1  }
0xa: {  	v1 =	vlaneseq.u32;
	[dreg:$0x3] =	wrdreg s5;
	s30 =	sor.u32 s3, s6;
	s4 =	ssub.s32 s4, s29  }
0xb: {  	s24 =	simm.s32 $0x4;
	v0 =	vmul.u32 $0x32, v1;
	v1 =	vmul.u32 $0x80, v1;
	[dreg:$0x4] =	wrdreg s30;
	s31 =	smax.u32 s4, $0x1  }
0xc: {  	s5 =	sadd.s32 $0xF42A00, s0;
	s3 =	simm.s32 $0x0;
	[dreg:$0x5] =	wrdreg s31  }
.LBB2_1:
0xd: {  	[dreg:$0x6] =	wrdreg s3;
	s26 =	simm.s32 $0x0  }
.LBB2_2:
0xe: {  	s0 =	rddreg [dreg:$0x4]  }
0xf: {  	s0 =	sadd.s32 s0, s26  }
0x10: {  	s3 =	smul.u32 $0x320, s0  }
0x11: {  	s4 =	simm.s32 $0x1;
	s6 =	rddreg [dreg:$0x3]  }
0x12: {  	s7 =	simm.s32 $0x0;
	s8 =	simm.s32 $0x5;
	v2 =	vadd.s32 s4, v0;
	s3 =	sadd.s32 s6, s3  }
0x13: {  	[tilespmem:s7], [sflag:$0x5] =	stream.linear.gather [hbm4b:s3+s7], $0x1900, $0x38;
	[tilespmem:$0xF200] =	vst v63  }
0x14: {  	_ =	swait.ge [sflag:s8], $0x1900  }
0x15: {  	[sflag:s8] =	ssyncset.done $0x0  }
0x16: {  	[sflag:s8] =	ssyncadd.s32 $0xFFFFE700  }
0x17: {  	s10 =	simm.s32 $0x321;
	v2 =	vld.idx.msk [tilespmem:v2+s2+$0x0], $0xffff  }
0x18: {  	v3 =	vadd.s32 s10, v0  }
0x19: {  	v4 =	vadd.s32 s7, v0  }
0x1a: {  	s25 =	simm.s32 $0x3  }
0x1b: {  	s30 =	simm.s32 $0x1980;
	v6 =	vadd.s32 s25, v0  }
0x1c: {  	[tilespmem:s30+$0x0] =	vst v2  }
0x1d: {  	s11 =	simm.s32 $0x641;
	v2 =	vld.idx.msk [tilespmem:v3+s2+$0x0], $0xffff  }
0x1e: {  	s23 =	simm.s32 $0x320;
	v3 =	vld.idx.msk [tilespmem:v4+s2+$0x0], $0xffff;
	v4 =	vadd.s32 s11, v0  }
0x1f: {  	v5 =	vadd.s32 s23, v0  }
0x20: {  	s7 =	simm.s32 $0x323;
	v6 =	vld.idx.msk [tilespmem:v6+s2+$0x0], $0xffff  }
0x21: {  	s25 =	simm.s32 $0x2;
	v8 =	vadd.s32 s7, v0  }
0x22: {  	[tilespmem:s30+$0x10] =	vst v2;
	v2 =	vadd.s32 s25, v0  }
0x23: {  	s4 =	simm.s32 $0x961;
	[tilespmem:s30+$0xFFFFFF80] =	vst v3;
	v3 =	vld.idx.msk [tilespmem:v4+s2+$0x0], $0xffff  }
0x24: {  	s6 =	simm.s32 $0x640;
	s3 =	simm.s32 $0x1A80;
	v4 =	vld.idx.msk [tilespmem:v5+s2+$0x0], $0xffff;
	v5 =	vadd.s32 s4, v0  }
0x25: {  	v7 =	vadd.s32 s6, v0;
	[tilespmem:s3+$0x0] =	vst v6  }
0x26: {  	s23 =	simm.s32 $0x643;
	v8 =	vld.idx.msk [tilespmem:v8+s2+$0x0], $0xffff  }
0x27: {  	v9 =	vadd.s32 s23, v0;
	s8 =	simm.s32 $0x322;
	v2 =	vld.idx.msk [tilespmem:v2+s2+$0x0], $0xffff  }
0x28: {  	[tilespmem:s30+$0x20] =	vst v3;
	v3 =	vadd.s32 s8, v0  }
0x29: {  	s10 =	simm.s32 $0xC81;
	[tilespmem:s30+$0xFFFFFF90] =	vst v4;
	v4 =	vld.idx.msk [tilespmem:v5+s2+$0x0], $0xffff  }
0x2a: {  	v6 =	vadd.s32 s10, v0;
	s11 =	simm.s32 $0x960;
	v5 =	vld.idx.msk [tilespmem:v7+s2+$0x0], $0xffff  }
0x2b: {  	s6 =	simm.s32 $0x5;
	[tilespmem:s3+$0x10] =	vst v8;
	v7 =	vadd.s32 s11, v0  }
0x2c: {  	s23 =	simm.s32 $0x963;
	v8 =	vld.idx.msk [tilespmem:v9+s2+$0x0], $0xffff;
	[tilespmem:s3+$0xFFFFFF80] =	vst v2;
	v2 =	vadd.s32 s6, v0  }
0x2d: {  	v11 =	vadd.s32 s23, v0;
	s7 =	simm.s32 $0x4;
	v3 =	vld.idx.msk [tilespmem:v3+s2+$0x0], $0xffff  }
0x2e: {  	v10 =	vadd.s32 s7, v0;
	s8 =	simm.s32 $0x642;
	[tilespmem:s30+$0x30] =	vst v4  }
0x2f: {  	s10 =	simm.s32 $0xFA1;
	[tilespmem:s30+$0xFFFFFFA0] =	vst v5;
	v5 =	vadd.s32 s8, v0;
	v4 =	vld.idx.msk [tilespmem:v6+s2+$0x0], $0xffff  }
0x30: {  	s11 =	simm.s32 $0xC80;
	v6 =	vld.idx.msk [tilespmem:v7+s2+$0x0], $0xffff;
	v7 =	vadd.s32 s10, v0  }
0x31: {  	[tilespmem:s3+$0x20] =	vst v8;
	v9 =	vadd.s32 s11, v0;
	s6 =	simm.s32 $0x325;
	v2 =	vld.idx.msk [tilespmem:v2+s2+$0x0], $0xffff  }
0x32: {  	s23 =	simm.s32 $0xC83;
	v11 =	vld.idx.msk [tilespmem:v11+s2+$0x0], $0xffff;
	[tilespmem:s3+$0xFFFFFF90] =	vst v3;
	v3 =	vadd.s32 s6, v0  }
0x33: {  	s29 =	simm.s32 $0x6;
	v12 =	vadd.s32 s23, v0;
	v10 =	vld.idx.msk [tilespmem:v10+s2+$0x0], $0xffff  }
0x34: {  	s8 =	simm.s32 $0x324;
	v5 =	vld.idx.msk [tilespmem:v5+s2+$0x0], $0xffff;
	[tilespmem:s30+$0x40] =	vst v4;
	v4 =	vadd.s32 s29, v0  }
0x35: {  	s28 =	simm.s32 $0x1B80;
	s10 =	simm.s32 $0x12C1;
	[tilespmem:s30+$0xFFFFFFB0] =	vst v6;
	v6 =	vld.idx.msk [tilespmem:v7+s2+$0x0], $0xffff;
	v7 =	vadd.s32 s8, v0  }
0x36: {  	s11 =	simm.s32 $0x962;
	v8 =	vld.idx.msk [tilespmem:v9+s2+$0x0], $0xffff;
	v9 =	vadd.s32 s10, v0;
	[tilespmem:s28+$0x0] =	vst v2  }
0x37: {  	[tilespmem:s3+$0x30] =	vst v11;
	s8 =	simm.s32 $0x645;
	v2 =	vadd.s32 s11, v0;
	v3 =	vld.idx.msk [tilespmem:v3+s2+$0x0], $0xffff  }
0x38: {  	[tilespmem:s28+$0xFFFFFF80] =	vst v10;
	v11 =	vld.idx.msk [tilespmem:v12+s2+$0x0], $0xffff;
	s6 =	simm.s32 $0xFA0;
	v10 =	vadd.s32 s8, v0  }
0x39: {  	s10 =	simm.s32 $0x7;
	[tilespmem:s3+$0xFFFFFFA0] =	vst v5;
	v13 =	vld.idx.msk [tilespmem:v4+s2+$0x0], $0xffff;
	v4 =	vadd.s32 s6, v0  }
0x3a: {  	s23 =	simm.s32 $0x644;
	v7 =	vld.idx.msk [tilespmem:v7+s2+$0x0], $0xffff;
	[tilespmem:s30+$0x50] =	vst v6;
	v6 =	vadd.s32 s10, v0  }
0x3b: {  	s11 =	simm.s32 $0x15E1;
	[tilespmem:s30+$0xFFFFFFC0] =	vst v8;
	v8 =	vadd.s32 s23, v0;
	v5 =	vld.idx.msk [tilespmem:v9+s2+$0x0], $0xffff  }
0x3c: {  	s6 =	simm.s32 $0xFA3;
	v2 =	vld.idx.msk [tilespmem:v2+s2+$0x0], $0xffff;
	v9 =	vadd.s32 s11, v0;
	[tilespmem:s28+$0x10] =	vst v3  }
0x3d: {  	s8 =	simm.s32 $0xC82;
	v3 =	vadd.s32 s6, v0;
	v10 =	vld.idx.msk [tilespmem:v10+s2+$0x0], $0xffff  }
0x3e: {  	v12 =	vadd.s32 s8, v0;
	s10 =	simm.s32 $0x965;
	v4 =	vld.idx.msk [tilespmem:v4+s2+$0x0], $0xffff  }
0x3f: {  	s11 =	simm.s32 $0x12C0;
	v14 =	vld.idx.msk [tilespmem:v6+s2+$0x0], $0xffff;
	v6 =	vadd.s32 s10, v0;
	[tilespmem:s28+$0xFFFFFF90] =	vst v7  }
0x40: {  	s23 =	simm.s32 $0x327;
	[tilespmem:s30+$0x60] =	vst v5;
	v5 =	vadd.s32 s11, v0;
	v15 =	vld.idx.msk [tilespmem:v8+s2+$0x0], $0xffff  }
0x41: {  	s31 =	simm.s32 $0x8;
	[tilespmem:s3+$0x40] =	vst v11;
	v7 =	vadd.s32 s23, v0;
	v9 =	vld.idx.msk [tilespmem:v9+s2+$0x0], $0xffff  }
0x42: {  	s8 =	simm.s32 $0x326;
	[tilespmem:s3+$0xFFFFFFB0] =	vst v2;
	v2 =	vadd.s32 s31, v0;
	v11 =	vld.idx.msk [tilespmem:v3+s2+$0x0], $0xffff  }
0x43: {  	s10 =	simm.s32 $0x12C3;
	v8 =	vadd.s32 s8, v0;
	v3 =	vld.idx.msk [tilespmem:v12+s2+$0x0], $0xffff;
	[tilespmem:s28+$0x20] =	vst v10  }
0x44: {  	s23 =	simm.s32 $0x964;
	s11 =	simm.s32 $0x1C80;
	v10 =	vadd.s32 s10, v0;
	[tilespmem:s30+$0xFFFFFFD0] =	vst v4;
	v6 =	vld.idx.msk [tilespmem:v6+s2+$0x0], $0xffff  }
0x45: {  	s6 =	simm.s32 $0xC85;
	v12 =	vadd.s32 s23, v0;
	[tilespmem:s11+$0x0] =	vst v14;
	v4 =	vld.idx.msk [tilespmem:v5+s2+$0x0], $0xffff  }
0x46: {  	s8 =	simm.s32 $0xFA2;
	[tilespmem:s11+$0xFFFFFF80] =	vst v13;
	v13 =	vadd.s32 s6, v0;
	v7 =	vld.idx.msk [tilespmem:v7+s2+$0x0], $0xffff  }
0x47: {  	s10 =	simm.s32 $0x647;
	v2 =	vld.idx.msk [tilespmem:v2+s2+$0x0], $0xffff;
	v5 =	vadd.s32 s8, v0;
	[tilespmem:s28+$0xFFFFFFA0] =	vst v15  }
0x48: {  	s23 =	simm.s32 $0x15E0;
	v8 =	vld.idx.msk [tilespmem:v8+s2+$0x0], $0xffff;
	[tilespmem:s3+$0x50] =	vst v11;
	v11 =	vadd.s32 s10, v0  }
0x49: {  	s4 =	simm.s32 $0xA;
	s8 =	simm.s32 $0x9;
	[tilespmem:s30+$0x70] =	vst v9;
	v9 =	vadd.s32 s23, v0;
	s10 =	simm.s32 $0x1C80;
	v10 =	vld.idx.msk [tilespmem:v10+s2+$0x0], $0xffff  }
.LBB2_3:
0x4a: {  	p0 =	slt.u32 s4, $0x30;
	v14 =	vadd.s32 s8, v0;
	v12 =	vld.idx.msk [tilespmem:v12+s2+$0x0], $0xffff;
	[tilespmem:s28+$0x30] =	vst v6;
	s8 =	sadd.s32 $0x15E1, s25;
	s6 =	smov.u32 s31  }
0x4b: {  	s23 =	sadd.s32 $0x640, s29;
	s31 =	smov.u32 s4;
	v6 =	vld.idx.msk [tilespmem:v13+s2+$0x0], $0xffff;
	[tilespmem:s3+$0xFFFFFFC0] =	vst v3;
	v3 =	vadd.s32 s8, v0  }
0x4c: {  	v13 =	vadd.s32 s23, v0;
	s8 =	sadd.s32 $0xFA1, s7;
	[tilespmem:s11+$0x10] =	vst v7;
	v5 =	vld.idx.msk [tilespmem:v5+s2+$0x0], $0xffff  }
0x4d: {  	s23 =	sadd.s32 $0xC80, s7;
	v7 =	vld.idx.msk [tilespmem:v11+s2+$0x0], $0xffff;
	v11 =	vadd.s32 s8, v0;
	[tilespmem:s30+$0xFFFFFFE0] =	vst v4  }
0x4e: {  	s8 =	sadd.s32 $0x961, s29;
	v4 =	vadd.s32 s23, v0;
	[tilespmem:s11+$0xFFFFFF90] =	vst v8;
	v8 =	vld.idx.msk [tilespmem:v9+s2+$0x0], $0xffff  }
0x4f: {  	v9 =	vld.idx.msk [tilespmem:v14+s2+$0x0], $0xffff;
	v14 =	vadd.s32 s8, v0;
	s8 =	sadd.s32 $0x12C0, s25;
	[tilespmem:s3+$0x60] =	vst v10  }
0x50: {  	s23 =	sadd.s32 $0x321, s6;
	[tilespmem:s28+$0xFFFFFFB0] =	vst v12;
	v10 =	vadd.s32 s8, v0;
	v15 =	vld.idx.msk [tilespmem:v3+s2+$0x0], $0xffff  }
0x51: {  	v16 =	vadd.s32 s23, v0;
	v17 =	vld.idx.msk [tilespmem:v13+s2+$0x0], $0xffff;
	[tilespmem:s28+$0x40] =	vst v6  }
0x52: {  	v18 =	vadd.s32 s4, v0;
	s8 =	sadd.s32 $0x320, s6;
	v19 =	vld.idx.msk [tilespmem:v11+s2+$0x0], $0xffff;
	[tilespmem:s3+$0xFFFFFFD0] =	vst v5  }
0x53: {  	v11 =	vadd.s32 s8, v0;
	s8 =	sadd.s32 $0x12C1, s7;
	[tilespmem:s11+$0x20] =	vst v7;
	v3 =	vld.idx.msk [tilespmem:v4+s2+$0x0], $0xffff  }
0x54: {  	s23 =	sadd.s32 $0x960, s29;
	s11 =	sadd.s32 $0x100, s11;
	v6 =	vld.idx.msk [tilespmem:v14+s2+$0x0], $0xffff;
	v14 =	vadd.s32 s8, v0;
	[tilespmem:s30+$0xFFFFFFF0] =	vst v8;
	s30 =	smov.u32 s3  }
.Ltmp0:
0x55: {  	v12 =	vadd.s32 s23, v0;
	s8 =	sadd.s32 $0xC81, s29;
	s3 =	smov.u32 s28;
	[tilespmem:s11+$0x0] =	vst v9;
	v4 =	vld.idx.msk [tilespmem:v10+s2+$0x0], $0xffff;
	(pc) =	sbr.rel @p0 .LBB2_3-.Ltmp0, $4  }
0x56: {  	s28 =	smov.u32 s10;
	s10 =	smov.u32 s11;
	v13 =	vadd.s32 s8, v0;
	s8 =	sadd.s32 $0xFA0, s7;
	v7 =	vld.idx.msk [tilespmem:v16+s2+$0x0], $0xffff;
	[tilespmem:s30+$0x70] =	vst v15  }
0x57: {  	s23 =	sadd.s32 $0x641, s6;
	v5 =	vadd.s32 s8, v0;
	[tilespmem:s11+$0xFFFFFF80] =	vst v2;
	v2 =	vld.idx.msk [tilespmem:v18+s2+$0x0], $0xffff  }
0x58: {  	v8 =	vld.idx.msk [tilespmem:v11+s2+$0x0], $0xffff;
	v11 =	vadd.s32 s23, v0;
	[tilespmem:s3+$0x50] =	vst v19;
	s23 =	sadd.s32 $0x15E0, s25;
	s25 =	smov.u32 s7;
	s7 =	smov.u32 s29  }
0x59: {  	s4 =	sadd.s32 $0x2, s4;
	s8 =	sadd.s32 $0x1, s31;
	s29 =	smov.u32 s6;
	[tilespmem:s28+$0xFFFFFFA0] =	vst v17;
	v10 =	vld.idx.msk [tilespmem:v14+s2+$0x0], $0xffff;
	v9 =	vadd.s32 s23, v0  }
0x5a: {  	v14 =	vadd.s32 s8, v0;
	_ =	sdelay $0x1  }
0x5b: {  	s6 =	sadd.s32 $0x320, s31  }
0x5c: {  	[tilespmem:s3+$0xFFFFFFC0] =	vst v3;
	v3 =	vadd.s32 s6, v0;
	_ =	sdelay $0x1  }
0x5d: {  	s4 =	sadd.s32 $0x321, s31;
	v14 =	vld.idx.msk [tilespmem:v14+s2+$0x0], $0xffff  }
0x5e: {  	[tilespmem:s28+$0x30] =	vst v6;
	v30 =	vadd.s32 s4, v0;
	s4 =	sadd.s32 $0x100, s11  }
0x5f: {  	[tilespmem:s4+$0xFFFFFF80] =	vst v2  }
0x60: {  	s23 =	sadd.s32 $0x640, s31;
	[tilespmem:s11+$0x10] =	vst v7;
	v2 =	vld.idx.msk [tilespmem:v3+s2+$0x0], $0xffff  }
0x61: {  	[tilespmem:s30+$0xFFFFFFE0] =	vst v4;
	v34 =	vadd.s32 s23, v0;
	v11 =	vld.idx.msk [tilespmem:v11+s2+$0x0], $0xffff  }
0x62: {  	v31 =	vld.idx.msk [tilespmem:v12+s2+$0x0], $0xffff;
	s6 =	sadd.s32 $0x640, s29;
	[tilespmem:s4+$0x0] =	vst v14  }
0x63: {  	s8 =	sadd.s32 $0x641, s31;
	s23 =	sadd.s32 $0xFA1, s7;
	v33 =	vadd.s32 s6, v0;
	[tilespmem:s11+$0xFFFFFF90] =	vst v8;
	v6 =	vld.idx.msk [tilespmem:v30+s2+$0x0], $0xffff  }
0x64: {  	v32 =	vld.idx.msk [tilespmem:v13+s2+$0x0], $0xffff;
	v36 =	vadd.s32 s23, v0;
	s23 =	sadd.s32 $0x960, s29;
	[tilespmem:s3+$0x60] =	vst v10;
	v3 =	vadd.s32 s8, v0  }
0x65: {  	v5 =	vld.idx.msk [tilespmem:v5+s2+$0x0], $0xffff;
	v38 =	vadd.s32 s23, v0;
	s23 =	sadd.s32 $0xC80, s7;
	[tilespmem:s4+$0xFFFFFF90] =	vst v2  }
0x66: {  	v40 =	vadd.s32 s23, v0;
	s8 =	sadd.s32 $0x15E1, s25;
	[tilespmem:s11+$0x20] =	vst v11;
	s11 =	sadd.s32 $0x960, s31;
	v8 =	vld.idx.msk [tilespmem:v34+s2+$0x0], $0xffff  }
0x67: {  	v9 =	vld.idx.msk [tilespmem:v9+s2+$0x0], $0xffff;
	[tilespmem:s28+$0xFFFFFFB0] =	vst v31;
	v35 =	vadd.s32 s8, v0;
	s8 =	sadd.s32 $0x961, s29;
	v39 =	vadd.s32 s11, v0  }
0x68: {  	v12 =	vld.idx.msk [tilespmem:v33+s2+$0x0], $0xffff;
	v37 =	vadd.s32 s8, v0;
	[tilespmem:s4+$0x10] =	vst v6  }
0x69: {  	[tilespmem:s28+$0x40] =	vst v32;
	s8 =	sadd.s32 $0x961, s31;
	v3 =	vld.idx.msk [tilespmem:v3+s2+$0x0], $0xffff  }
0x6a: {  	[tilespmem:s3+$0xFFFFFFD0] =	vst v5;
	v7 =	vld.idx.msk [tilespmem:v36+s2+$0x0], $0xffff;
	v2 =	vadd.s32 s8, v0  }
0x6b: {  	v44 =	vld.idx.msk [tilespmem:v40+s2+$0x0], $0xffff;
	s8 =	sadd.s32 $0x12C0, s25;
	[tilespmem:s4+$0xFFFFFFA0] =	vst v8  }
0x6c: {  	[tilespmem:s30+$0xFFFFFFF0] =	vst v9;
	v41 =	vadd.s32 s8, v0;
	s8 =	sadd.s32 $0xC80, s31;
	v5 =	vld.idx.msk [tilespmem:v39+s2+$0x0], $0xffff  }
0x6d: {  	s11 =	sadd.s32 $0xC81, s29;
	[tilespmem:s10+$0xFFFFFFA0] =	vst v12;
	v4 =	vld.idx.msk [tilespmem:v37+s2+$0x0], $0xffff;
	v45 =	vadd.s32 s8, v0  }
0x6e: {  	s23 =	sadd.s32 $0xC80, s29;
	v42 =	vadd.s32 s11, v0;
	v6 =	vld.idx.msk [tilespmem:v38+s2+$0x0], $0xffff;
	[tilespmem:s4+$0x20] =	vst v3  }
0x6f: {  	s30 =	sadd.s32 $0xC81, s31;
	[tilespmem:s28+$0x50] =	vst v7;
	v3 =	vadd.s32 s23, v0;
	v2 =	vld.idx.msk [tilespmem:v2+s2+$0x0], $0xffff  }
0x70: {  	v43 =	vadd.s32 s30, v0;
	s11 =	sadd.s32 $0x12C1, s7;
	v10 =	vld.idx.msk [tilespmem:v35+s2+$0x0], $0xffff;
	[tilespmem:s28+$0xFFFFFFC0] =	vst v44  }
0x71: {  	v46 =	vadd.s32 s11, v0;
	v9 =	vld.idx.msk [tilespmem:v41+s2+$0x0], $0xffff;
	s23 =	sadd.s32 $0xFA0, s7;
	[tilespmem:s4+$0xFFFFFFB0] =	vst v5  }
0x72: {  	[tilespmem:s10+$0x30] =	vst v4;
	v47 =	vadd.s32 s23, v0;
	s23 =	sadd.s32 $0xFA0, s31;
	v7 =	vld.idx.msk [tilespmem:v45+s2+$0x0], $0xffff  }
0x73: {  	s30 =	sadd.s32 $0xFA1, s29;
	v12 =	vld.idx.msk [tilespmem:v42+s2+$0x0], $0xffff;
	[tilespmem:s10+$0xFFFFFFB0] =	vst v6;
	v51 =	vadd.s32 s23, v0  }
0x74: {  	v48 =	vadd.s32 s30, v0;
	s8 =	sadd.s32 $0xFA0, s29;
	v3 =	vld.idx.msk [tilespmem:v3+s2+$0x0], $0xffff;
	[tilespmem:s4+$0x30] =	vst v2  }
0x75: {  	s30 =	sadd.s32 $0x12C0, s7;
	s11 =	sadd.s32 $0xFA1, s31;
	[tilespmem:s3+$0x70] =	vst v10;
	v2 =	vadd.s32 s8, v0;
	v8 =	vld.idx.msk [tilespmem:v43+s2+$0x0], $0xffff  }
0x76: {  	v53 =	vadd.s32 s30, v0;
	s30 =	sadd.s32 $0x15E1, s7;
	v49 =	vadd.s32 s11, v0;
	v50 =	vld.idx.msk [tilespmem:v46+s2+$0x0], $0xffff;
	[tilespmem:s3+$0xFFFFFFE0] =	vst v9  }
0x77: {  	v58 =	vadd.s32 s30, v0;
	s25 =	sadd.s32 $0x15E0, s25;
	v4 =	vld.idx.msk [tilespmem:v47+s2+$0x0], $0xffff;
	[tilespmem:s4+$0xFFFFFFC0] =	vst v7  }
0x78: {  	v52 =	vadd.s32 s25, v0;
	s25 =	sadd.s32 $0x12C0, s31;
	[tilespmem:s10+$0x40] =	vst v12;
	v9 =	vld.idx.msk [tilespmem:v51+s2+$0x0], $0xffff  }
0x79: {  	v57 =	vadd.s32 s25, v0;
	v6 =	vld.idx.msk [tilespmem:v48+s2+$0x0], $0xffff;
	s8 =	sadd.s32 $0x12C1, s29;
	[tilespmem:s10+$0xFFFFFFC0] =	vst v3  }
0x7a: {  	s11 =	sadd.s32 $0x12C0, s29;
	v3 =	vadd.s32 s8, v0;
	v2 =	vld.idx.msk [tilespmem:v2+s2+$0x0], $0xffff;
	[tilespmem:s4+$0x40] =	vst v8  }
0x7b: {  	v54 =	vadd.s32 s11, v0;
	[tilespmem:s28+$0x60] =	vst v50;
	s23 =	sadd.s32 $0x12C1, s31;
	v5 =	vld.idx.msk [tilespmem:v49+s2+$0x0], $0xffff  }
0x7c: {  	v62 =	vld.idx.msk [tilespmem:v58+s2+$0x0], $0xffff;
	v55 =	vadd.s32 s23, v0;
	[tilespmem:s28+$0xFFFFFFD0] =	vst v4  }
0x7d: {  	s7 =	sadd.s32 $0x15E0, s7;
	v12 =	vld.idx.msk [tilespmem:v53+s2+$0x0], $0xffff;
	[tilespmem:s4+$0xFFFFFFD0] =	vst v9  }
0x7e: {  	s25 =	sadd.s32 $0x15E0, s31;
	v59 =	vadd.s32 s7, v0;
	[tilespmem:s10+$0x50] =	vst v6;
	v4 =	vld.idx.msk [tilespmem:v57+s2+$0x0], $0xffff  }
0x7f: {  	v63 =	vadd.s32 s25, v0;
	s8 =	sadd.s32 $0x15E1, s29;
	v3 =	vld.idx.msk [tilespmem:v3+s2+$0x0], $0xffff;
	[tilespmem:s10+$0xFFFFFFD0] =	vst v2  }
0x80: {  	s11 =	sadd.s32 $0x15E0, s29;
	v2 =	vadd.s32 s8, v0;
	v8 =	vld.idx.msk [tilespmem:v54+s2+$0x0], $0xffff;
	[tilespmem:s4+$0x50] =	vst v5  }
0x81: {  	v60 =	vadd.s32 s11, v0;
	s23 =	sadd.s32 $0x15E1, s31;
	[tilespmem:s28+$0x70] =	vst v62;
	v5 =	vld.idx.msk [tilespmem:v55+s2+$0x0], $0xffff  }
0x82: {  	v56 =	vld.idx.msk [tilespmem:v52+s2+$0x0], $0xffff;
	v61 =	vadd.s32 s23, v0;
	[tilespmem:s28+$0xFFFFFFE0] =	vst v12  }
0x83: {  	v6 =	vld.idx.msk [tilespmem:v59+s2+$0x0], $0xffff;
	[tilespmem:s4+$0xFFFFFFE0] =	vst v4  }
0x84: {  	[tilespmem:s10+$0x60] =	vst v3;
	v4 =	vld.idx.msk [tilespmem:v63+s2+$0x0], $0xffff  }
0x85: {  	v2 =	vld.idx.msk [tilespmem:v2+s2+$0x0], $0xffff;
	[tilespmem:s10+$0xFFFFFFE0] =	vst v8  }
0x86: {  	v3 =	vld.idx.msk [tilespmem:v60+s2+$0x0], $0xffff;
	[tilespmem:s4+$0x60] =	vst v5  }
0x87: {  	[tilespmem:s3+$0xFFFFFFF0] =	vst v56;
	v5 =	vld.idx.msk [tilespmem:v61+s2+$0x0], $0xffff  }
0x88: {  	[tilespmem:s28+$0xFFFFFFF0] =	vst v6  }
0x89: {  	[tilespmem:s4+$0xFFFFFFF0] =	vst v4  }
0x8a: {  	[tilespmem:s10+$0x70] =	vst v2  }
0x8b: {  	s30 =	simm.s32 $0x1900;
	[tilespmem:s10+$0xFFFFFFF0] =	vst v3  }
0x8c: {  	s31 =	simm.s32 $0x3200;
	s29 =	simm.s32 $0x0;
	s28 =	sshll.u32 s0, $0x7;
	[tilespmem:s4+$0x70] =	vst v5  }
0x8d: {  	[tilespmem:s31], [sflag:$0x1] =	stream.indirect.gather [hbm4b:s5+s9], $0x20, s30, s9, $0xb8;
	[tilespmem:$0xF200] =	vst v63  }
.LBB2_5:
0x8e: {  	s30 =	sshllo.u32 s29, $0x1  }
0x8f: {  	s0 =	smul.u32 $0xA00, s30;
	_ =	sdelay $0x1  }
0x90: {  	s0 =	sshra.s32 s0, $0x2  }
0x91: {  	s0 =	sadd.s32 $0x1900, s0  }
0x92: {  	[tilespmem:s12], [sflag:$0x2] =	stream.indirect.gather [hbm4b:s5+s9], $0x20, s0, s9, $0xb8;
	[tilespmem:$0xF200] =	vst v63  }
0x93: {  	_ =	swait.ge [sflag:s13], $0x5000  }
0x94: {  	s31 =	smul.u32 $0xA, s29;
	[sflag:s13] =	ssyncset.done $0x0  }
0x95: {  	s3 =	simm.s32 $0x0;
	s0 =	simm.s32 $0x3300;
	[sflag:s13] =	ssyncadd.s32 $0xFFFFB000  }
.LBB2_6:
0x96: {  	s4 =	sor.u32 s29, s3  }
0x97: {  	p0 =	seq.s32 s4, $0x0  }
0x98: {  	s4 =	simm.s32 @!p0 $0x3  }
0x99: {  	_ =	swait.ge @!p0 [sflag:s4], $0x400  }
0x9a: {  	[sflag:s4] =	ssyncset.done @!p0 $0x0  }
0x9b: {  	[sflag:s4] =	ssyncadd.s32 @!p0 $0xFFFFFC00  }
0x9c: {  	_ =	swait.ge @!p0 [sflag:s4], $0x400  }
0x9d: {  	[sflag:s4] =	ssyncset.done @!p0 $0x0  }
0x9e: {  	[sflag:s4] =	ssyncadd.s32 @!p0 $0xFFFFFC00  }
0x9f: {  	_ =	swait.ge @!p0 [sflag:s4], $0x400  }
0xa0: {  	[sflag:s4] =	ssyncset.done @!p0 $0x0  }
0xa1: {  	[sflag:s4] =	ssyncadd.s32 @!p0 $0xFFFFFC00  }
0xa2: {  	_ =	swait.ge @!p0 [sflag:s4], $0x400  }
0xa3: {  	[sflag:s4] =	ssyncset.done @!p0 $0x0  }
0xa4: {  	[sflag:s4] =	ssyncadd.s32 @!p0 $0xFFFFFC00  }
0xa5: {  	v2 =	vld [tilespmem:s0+$0xE0]  }
0xa6: {  	s11 =	simm.s32 $0xF;
	v3 =	vld [tilespmem:s0+$0xFFFFFF20]  }
0xa7: {  	s6 =	simm.s32 $0x1;
	v5 =	vor.u32 s11, v1;
	v4 =	vld [tilespmem:s0+$0xFFFFFF40]  }
0xa8: {  	s23 =	simm.s32 $0x2;
	v6 =	vor.u32 s6, v1;
	v7 =	vld [tilespmem:s0+$0xFFFFFF60]  }
0xa9: {  	s25 =	simm.s32 $0x3;
	v8 =	vor.u32 s23, v1;
	v9 =	vld [tilespmem:s0+$0xFFFFFF80]  }
0xaa: {  	v10 =	vor.u32 s25, v1;
	s6 =	simm.s32 $0x4;
	v11 =	vld [tilespmem:s0+$0xFFFFFFA0];
	v2 =	vmul.f32 $1.000000000e+01, v2  }
0xab: {  	s7 =	simm.s32 $0x5;
	v12 =	vor.u32 s6, v1;
	v13 =	vld [tilespmem:s0+$0xFFFFFFC0];
	v3 =	vmul.f32 $1.000000000e+01, v3  }
0xac: {  	s8 =	simm.s32 $0x6;
	v14 =	vor.u32 s7, v1;
	v15 =	vld [tilespmem:s0+$0xFFFFFFE0];
	v4 =	vmul.f32 $1.000000000e+01, v4;
	[tilespmem:v5+s14+$0x0] =	vst.idx.msk $0xffff, v2  }
0xad: {  	s10 =	simm.s32 $0x7;
	[tilespmem:v6+s14+$0x0] =	vst.idx.msk $0xffff, v3;
	v2 =	vmul.f32 $1.000000000e+01, v7;
	v3 =	vor.u32 s8, v1;
	v5 =	vld [tilespmem:s0+$0xF0]  }
0xae: {  	s11 =	simm.s32 $0x80F;
	[tilespmem:v8+s14+$0x0] =	vst.idx.msk $0xffff, v4;
	v4 =	vmul.f32 $1.000000000e+01, v9;
	v6 =	vor.u32 s10, v1;
	v7 =	vld [tilespmem:s0+$0x0]  }
0xaf: {  	s23 =	simm.s32 $0x8;
	v8 =	vld [tilespmem:s0+$0x20];
	v9 =	vor.u32 s11, v1;
	[tilespmem:v10+s14+$0x0] =	vst.idx.msk $0xffff, v2;
	v2 =	vmul.f32 $1.000000000e+01, v11  }
0xb0: {  	s25 =	simm.s32 $0x9;
	[tilespmem:v12+s14+$0x0] =	vst.idx.msk $0xffff, v4;
	v4 =	vmul.f32 $1.000000000e+01, v13;
	v10 =	vor.u32 s23, v1;
	v11 =	vld [tilespmem:s0+$0x40]  }
0xb1: {  	s6 =	simm.s32 $0xA;
	v12 =	vor.u32 s25, v1;
	v13 =	vld [tilespmem:s0+$0x60];
	[tilespmem:v14+s14+$0x0] =	vst.idx.msk $0xffff, v2;
	v2 =	vmul.f32 $1.000000000e+01, v15  }
0xb2: {  	s7 =	simm.s32 $0xB;
	[tilespmem:v3+s14+$0x0] =	vst.idx.msk $0xffff, v4;
	v3 =	vor.u32 s6, v1;
	v4 =	vld [tilespmem:s0+$0x80];
	v5 =	vmul.f32 $1.000000000e+01, v5  }
0xb3: {  	s8 =	simm.s32 $0xC;
	[tilespmem:v6+s14+$0x0] =	vst.idx.msk $0xffff, v2;
	v2 =	vmul.f32 $1.000000000e+01, v7;
	v6 =	vor.u32 s7, v1;
	v7 =	vld [tilespmem:s0+$0xA0]  }
0xb4: {  	s10 =	simm.s32 $0xD;
	v14 =	vor.u32 s8, v1;
	v15 =	vld [tilespmem:s0+$0xC0];
	v8 =	vmul.f32 $1.000000000e+01, v8;
	[tilespmem:v9+s14+$0x0] =	vst.idx.msk $0xffff, v5  }
0xb5: {  	s11 =	simm.s32 $0xE;
	v5 =	vld [tilespmem:s0+$0xFFFFFF00];
	[tilespmem:v10+s14+$0x0] =	vst.idx.msk $0xffff, v2;
	v2 =	vmul.f32 $1.000000000e+01, v11;
	v9 =	vor.u32 s10, v1  }
0xb6: {  	s23 =	simm.s32 $0x0;
	[tilespmem:v12+s14+$0x0] =	vst.idx.msk $0xffff, v8;
	v8 =	vmul.f32 $1.000000000e+01, v13;
	v10 =	vld [tilespmem:s0+$0xFFFFFF30];
	v11 =	vor.u32 s11, v1  }
0xb7: {  	s25 =	simm.s32 $0x801;
	v12 =	vor.u32 s23, v1;
	v13 =	vld [tilespmem:s0+$0xFFFFFF50];
	[tilespmem:v3+s14+$0x0] =	vst.idx.msk $0xffff, v2;
	v2 =	vmul.f32 $1.000000000e+01, v4  }
0xb8: {  	s6 =	simm.s32 $0x802;
	v3 =	vor.u32 s25, v1;
	v4 =	vld [tilespmem:s0+$0xFFFFFF70];
	[tilespmem:v6+s14+$0x0] =	vst.idx.msk $0xffff, v8;
	v6 =	vmul.f32 $1.000000000e+01, v7  }
0xb9: {  	s7 =	simm.s32 $0x803;
	v7 =	vor.u32 s6, v1;
	v8 =	vld [tilespmem:s0+$0xFFFFFF90];
	[tilespmem:v14+s14+$0x0] =	vst.idx.msk $0xffff, v2;
	v2 =	vmul.f32 $1.000000000e+01, v15  }
0xba: {  	s8 =	simm.s32 $0x804;
	v14 =	vor.u32 s7, v1;
	v15 =	vld [tilespmem:s0+$0xFFFFFFB0];
	v5 =	vmul.f32 $1.000000000e+01, v5;
	[tilespmem:v9+s14+$0x0] =	vst.idx.msk $0xffff, v6  }
0xbb: {  	s10 =	simm.s32 $0x805;
	v6 =	vmul.f32 $1.000000000e+01, v10;
	v9 =	vor.u32 s8, v1;
	v10 =	vld [tilespmem:s0+$0xFFFFFFD0];
	[tilespmem:v11+s14+$0x0] =	vst.idx.msk $0xffff, v2  }
0xbc: {  	s11 =	simm.s32 $0x806;
	v2 =	vmul.f32 $1.000000000e+01, v13;
	v11 =	vld [tilespmem:s0+$0xFFFFFFF0];
	[tilespmem:v12+s14+$0x0] =	vst.idx.msk $0xffff, v5;
	v5 =	vor.u32 s10, v1  }
0xbd: {  	s23 =	simm.s32 $0x807;
	[tilespmem:v3+s14+$0x0] =	vst.idx.msk $0xffff, v6;
	v3 =	vmul.f32 $1.000000000e+01, v4;
	v4 =	vor.u32 s11, v1;
	v12 =	vld [tilespmem:s0+$0xFFFFFF10]  }
0xbe: {  	s25 =	simm.s32 $0x800;
	v6 =	vor.u32 s23, v1;
	[tilespmem:v7+s14+$0x0] =	vst.idx.msk $0xffff, v2;
	v2 =	vmul.f32 $1.000000000e+01, v8;
	v7 =	vld [tilespmem:s0+$0x10]  }
0xbf: {  	s6 =	simm.s32 $0x808;
	v13 =	vld [tilespmem:s0+$0x30];
	v8 =	vor.u32 s25, v1;
	[tilespmem:v14+s14+$0x0] =	vst.idx.msk $0xffff, v3;
	v3 =	vmul.f32 $1.000000000e+01, v15  }
0xc0: {  	s7 =	simm.s32 $0x809;
	v14 =	vld [tilespmem:s0+$0x50];
	[tilespmem:v9+s14+$0x0] =	vst.idx.msk $0xffff, v2;
	v2 =	vmul.f32 $1.000000000e+01, v10;
	v9 =	vor.u32 s6, v1  }
0xc1: {  	s8 =	simm.s32 $0x80A;
	[tilespmem:v5+s14+$0x0] =	vst.idx.msk $0xffff, v3;
	v3 =	vmul.f32 $1.000000000e+01, v11;
	v5 =	vld [tilespmem:s0+$0x70];
	v11 =	vor.u32 s7, v1  }
0xc2: {  	s10 =	simm.s32 $0x80B;
	v10 =	vor.u32 s8, v1;
	[tilespmem:v4+s14+$0x0] =	vst.idx.msk $0xffff, v2;
	v2 =	vld [tilespmem:s0+$0x90];
	v12 =	vmul.f32 $1.000000000e+01, v12  }
0xc3: {  	s11 =	simm.s32 $0x80C;
	v15 =	vmul.f32 $1.000000000e+01, v7;
	[tilespmem:v6+s14+$0x0] =	vst.idx.msk $0xffff, v3;
	v3 =	vld [tilespmem:s0+$0xB0];
	v6 =	vor.u32 s10, v1  }
0xc4: {  	s23 =	simm.s32 $0x80D;
	s25 =	sadd.s32 $0x200, s0;
	v7 =	vld [tilespmem:s0+$0xD0];
	[tilespmem:v8+s14+$0x0] =	vst.idx.msk $0xffff, v12;
	v12 =	vmul.f32 $1.000000000e+01, v13;
	v8 =	vor.u32 s11, v1  }
0xc5: {  	s4 =	simm.s32 $0x80E;
	s7 =	simm.s32 $0x10;
	v4 =	vld [tilespmem:s25+$0xE0];
	s10 =	simm.s32 $0x20;
	[tilespmem:v9+s14+$0x0] =	vst.idx.msk $0xffff, v15;
	v13 =	vmul.f32 $1.000000000e+01, v14;
	v9 =	vor.u32 s23, v1  }
.LBB2_7:
0xc6: {  	p0 =	slt.u32 s10, $0x70;
	v14 =	vld [tilespmem:s25+$0xFFFFFF20];
	s6 =	sadd.s32 $0xF, s7;
	[tilespmem:v11+s14+$0x0] =	vst.idx.msk $0xffff, v12;
	v5 =	vmul.f32 $1.000000000e+01, v5;
	v11 =	vor.u32 s4, v1  }
0xc7: {  	s4 =	sadd.s32 $0x1, s7;
	v12 =	vld [tilespmem:s25+$0xFFFFFF40];
	v15 =	vor.u32 s6, v1;
	[tilespmem:v10+s14+$0x0] =	vst.idx.msk $0xffff, v13;
	v2 =	vmul.f32 $1.000000000e+01, v2  }
0xc8: {  	v10 =	vor.u32 s4, v1;
	s4 =	sadd.s32 $0x2, s7;
	v13 =	vld [tilespmem:s25+$0xFFFFFF60];
	[tilespmem:v6+s14+$0x0] =	vst.idx.msk $0xffff, v5;
	v3 =	vmul.f32 $1.000000000e+01, v3  }
0xc9: {  	v5 =	vor.u32 s4, v1;
	s4 =	sadd.s32 $0x3, s7;
	v6 =	vld [tilespmem:s25+$0xFFFFFF80];
	[tilespmem:v8+s14+$0x0] =	vst.idx.msk $0xffff, v2;
	v2 =	vmul.f32 $1.000000000e+01, v7  }
0xca: {  	v7 =	vor.u32 s4, v1;
	s4 =	sadd.s32 $0x4, s7;
	v8 =	vld [tilespmem:s25+$0xFFFFFFA0];
	v4 =	vmul.f32 $1.000000000e+01, v4;
	[tilespmem:v9+s14+$0x0] =	vst.idx.msk $0xffff, v3  }
0xcb: {  	v9 =	vor.u32 s4, v1;
	s4 =	sadd.s32 $0x5, s7;
	v3 =	vmul.f32 $1.000000000e+01, v14;
	v14 =	vld [tilespmem:s25+$0xFFFFFFC0];
	[tilespmem:v11+s14+$0x0] =	vst.idx.msk $0xffff, v2  }
0xcc: {  	v11 =	vor.u32 s4, v1;
	s4 =	sadd.s32 $0x6, s7;
	v2 =	vmul.f32 $1.000000000e+01, v12;
	v12 =	vld [tilespmem:s25+$0xFFFFFFE0];
	[tilespmem:v15+s14+$0x0] =	vst.idx.msk $0xffff, v4  }
0xcd: {  	v4 =	vor.u32 s4, v1;
	s4 =	sadd.s32 $0x7, s7;
	[tilespmem:v10+s14+$0x0] =	vst.idx.msk $0xffff, v3;
	v3 =	vmul.f32 $1.000000000e+01, v13;
	v10 =	vld [tilespmem:s25+$0xF0]  }
0xce: {  	[tilespmem:v5+s14+$0x0] =	vst.idx.msk $0xffff, v2;
	v2 =	vmul.f32 $1.000000000e+01, v6;
	v5 =	vor.u32 s4, v1;
	v6 =	vld [tilespmem:s25+$0x0];
	s4 =	sadd.s32 $0x80F, s7  }
0xcf: {  	s6 =	sadd.s32 $0x8, s7;
	[tilespmem:v7+s14+$0x0] =	vst.idx.msk $0xffff, v3;
	v3 =	vmul.f32 $1.000000000e+01, v8;
	v7 =	vld [tilespmem:s25+$0x20];
	v8 =	vor.u32 s4, v1  }
0xd0: {  	s4 =	sadd.s32 $0x9, s7;
	[tilespmem:v9+s14+$0x0] =	vst.idx.msk $0xffff, v2;
	v2 =	vmul.f32 $1.000000000e+01, v14;
	v9 =	vor.u32 s6, v1;
	v13 =	vld [tilespmem:s25+$0x40]  }
0xd1: {  	[tilespmem:v11+s14+$0x0] =	vst.idx.msk $0xffff, v3;
	v3 =	vmul.f32 $1.000000000e+01, v12;
	v11 =	vor.u32 s4, v1;
	s4 =	sadd.s32 $0xA, s7;
	v12 =	vld [tilespmem:s25+$0x60]  }
0xd2: {  	[tilespmem:v4+s14+$0x0] =	vst.idx.msk $0xffff, v2;
	v2 =	vor.u32 s4, v1;
	s4 =	sadd.s32 $0xB, s7;
	v4 =	vld [tilespmem:s25+$0x80];
	v10 =	vmul.f32 $1.000000000e+01, v10  }
0xd3: {  	[tilespmem:v5+s14+$0x0] =	vst.idx.msk $0xffff, v3;
	v3 =	vmul.f32 $1.000000000e+01, v6;
	v5 =	vor.u32 s4, v1;
	s4 =	sadd.s32 $0xC, s7;
	v6 =	vld [tilespmem:s25+$0xA0]  }
0xd4: {  	v7 =	vmul.f32 $1.000000000e+01, v7;
	v14 =	vor.u32 s4, v1;
	s4 =	sadd.s32 $0xD, s7;
	v15 =	vld [tilespmem:s25+$0xC0];
	[tilespmem:v8+s14+$0x0] =	vst.idx.msk $0xffff, v10  }
0xd5: {  	v8 =	vld [tilespmem:s25+$0xFFFFFF00];
	[tilespmem:v9+s14+$0x0] =	vst.idx.msk $0xffff, v3;
	v3 =	vmul.f32 $1.000000000e+01, v13;
	v9 =	vor.u32 s4, v1;
	s4 =	sadd.s32 $0xE, s7  }
0xd6: {  	v10 =	vld [tilespmem:s25+$0xFFFFFF30];
	[tilespmem:v11+s14+$0x0] =	vst.idx.msk $0xffff, v7;
	v7 =	vmul.f32 $1.000000000e+01, v12;
	v11 =	vor.u32 s4, v1  }
0xd7: {  	v12 =	vor.u32 s7, v1;
	s4 =	sadd.s32 $0x801, s7;
	v13 =	vld [tilespmem:s25+$0xFFFFFF50];
	[tilespmem:v2+s14+$0x0] =	vst.idx.msk $0xffff, v3;
	v2 =	vmul.f32 $1.000000000e+01, v4  }
0xd8: {  	v3 =	vor.u32 s4, v1;
	s4 =	sadd.s32 $0x802, s7;
	v4 =	vld [tilespmem:s25+$0xFFFFFF70];
	[tilespmem:v5+s14+$0x0] =	vst.idx.msk $0xffff, v7;
	v5 =	vmul.f32 $1.000000000e+01, v6  }
0xd9: {  	v6 =	vor.u32 s4, v1;
	s4 =	sadd.s32 $0x803, s7;
	v7 =	vld [tilespmem:s25+$0xFFFFFF90];
	[tilespmem:v14+s14+$0x0] =	vst.idx.msk $0xffff, v2;
	v2 =	vmul.f32 $1.000000000e+01, v15  }
0xda: {  	v14 =	vor.u32 s4, v1;
	s4 =	sadd.s32 $0x804, s7;
	v8 =	vmul.f32 $1.000000000e+01, v8;
	v15 =	vld [tilespmem:s25+$0xFFFFFFB0];
	[tilespmem:v9+s14+$0x0] =	vst.idx.msk $0xffff, v5  }
0xdb: {  	v9 =	vor.u32 s4, v1;
	s4 =	sadd.s32 $0x805, s7;
	v5 =	vmul.f32 $1.000000000e+01, v10;
	v10 =	vld [tilespmem:s25+$0xFFFFFFD0];
	[tilespmem:v11+s14+$0x0] =	vst.idx.msk $0xffff, v2  }
0xdc: {  	[tilespmem:v12+s14+$0x0] =	vst.idx.msk $0xffff, v8;
	v2 =	vmul.f32 $1.000000000e+01, v13;
	v8 =	vor.u32 s4, v1;
	s4 =	sadd.s32 $0x806, s7;
	v11 =	vld [tilespmem:s25+$0xFFFFFFF0]  }
0xdd: {  	v12 =	vld [tilespmem:s25+$0xFFFFFF10];
	[tilespmem:v3+s14+$0x0] =	vst.idx.msk $0xffff, v5;
	v3 =	vmul.f32 $1.000000000e+01, v4;
	v4 =	vor.u32 s4, v1;
	s4 =	sadd.s32 $0x807, s7  }
0xde: {  	s6 =	sadd.s32 $0x800, s7;
	[tilespmem:v6+s14+$0x0] =	vst.idx.msk $0xffff, v2;
	v2 =	vmul.f32 $1.000000000e+01, v7;
	v6 =	vor.u32 s4, v1;
	v7 =	vld [tilespmem:s25+$0x10]  }
0xdf: {  	v13 =	vor.u32 s6, v1;
	s4 =	sadd.s32 $0x808, s7;
	[tilespmem:v14+s14+$0x0] =	vst.idx.msk $0xffff, v3;
	v3 =	vmul.f32 $1.000000000e+01, v15;
	v14 =	vld [tilespmem:s25+$0x30]  }
0xe0: {  	[tilespmem:v9+s14+$0x0] =	vst.idx.msk $0xffff, v2;
	v2 =	vmul.f32 $1.000000000e+01, v10;
	v9 =	vor.u32 s4, v1;
	s4 =	sadd.s32 $0x809, s7;
	v15 =	vld [tilespmem:s25+$0x50]  }
.Ltmp1:
0xe1: {  	[tilespmem:v8+s14+$0x0] =	vst.idx.msk $0xffff, v3;
	v3 =	vmul.f32 $1.000000000e+01, v11;
	v11 =	vor.u32 s4, v1;
	s4 =	sadd.s32 $0x80A, s7;
	v5 =	vld [tilespmem:s25+$0x70];
	(pc) =	sbr.rel @p0 .LBB2_7-.Ltmp1, $4  }
0xe2: {  	v8 =	vmul.f32 $1.000000000e+01, v12;
	[tilespmem:v4+s14+$0x0] =	vst.idx.msk $0xffff, v2;
	v10 =	vor.u32 s4, v1;
	s4 =	sadd.s32 $0x80B, s7;
	v2 =	vld [tilespmem:s25+$0x90]  }
0xe3: {  	[tilespmem:v6+s14+$0x0] =	vst.idx.msk $0xffff, v3;
	v16 =	vmul.f32 $1.000000000e+01, v7;
	v6 =	vor.u32 s4, v1;
	s4 =	sadd.s32 $0x80C, s7;
	v3 =	vld [tilespmem:s25+$0xB0]  }
0xe4: {  	[tilespmem:v13+s14+$0x0] =	vst.idx.msk $0xffff, v8;
	v12 =	vmul.f32 $1.000000000e+01, v14;
	v8 =	vor.u32 s4, v1;
	s4 =	sadd.s32 $0x80D, s7;
	v7 =	vld [tilespmem:s25+$0xD0];
	s25 =	sadd.s32 $0x200, s25  }
0xe5: {  	v4 =	vld [tilespmem:s25+$0xE0];
	[tilespmem:v9+s14+$0x0] =	vst.idx.msk $0xffff, v16;
	v13 =	vmul.f32 $1.000000000e+01, v15;
	v9 =	vor.u32 s4, v1;
	s4 =	sadd.s32 $0x80E, s7;
	s7 =	smov.u32 s10;
	s10 =	sadd.s32 $0x10, s10  }
0xe6: {  	_ =	sdelay $0x3  }
0xe7: {  	v14 =	vld [tilespmem:s25+$0xFFFFFF20];
	s6 =	sadd.s32 $0xF, s7;
	[tilespmem:v11+s14+$0x0] =	vst.idx.msk $0xffff, v12;
	v5 =	vmul.f32 $1.000000000e+01, v5;
	v49 =	vor.u32 s4, v1  }
0xe8: {  	s8 =	sadd.s32 $0x1, s7;
	v50 =	vld [tilespmem:s25+$0xFFFFFF40];
	v15 =	vor.u32 s6, v1;
	[tilespmem:v10+s14+$0x0] =	vst.idx.msk $0xffff, v13;
	v2 =	vmul.f32 $1.000000000e+01, v2  }
0xe9: {  	s10 =	sadd.s32 $0x2, s7;
	v28 =	vld [tilespmem:s25+$0xFFFFFF00];
	v51 =	vor.u32 s8, v1;
	[tilespmem:v6+s14+$0x0] =	vst.idx.msk $0xffff, v5;
	v3 =	vmul.f32 $1.000000000e+01, v3  }
0xea: {  	v52 =	vld [tilespmem:s25+$0xFFFFFF60];
	v53 =	vor.u32 s10, v1;
	[tilespmem:v8+s14+$0x0] =	vst.idx.msk $0xffff, v2;
	v2 =	vmul.f32 $1.000000000e+01, v7  }
0xeb: {  	s11 =	sadd.s32 $0x3, s7;
	v54 =	vld [tilespmem:s25+$0xFFFFFF80];
	v33 =	vor.u32 s7, v1;
	v4 =	vmul.f32 $1.000000000e+01, v4;
	[tilespmem:v9+s14+$0x0] =	vst.idx.msk $0xffff, v3  }
0xec: {  	s23 =	sadd.s32 $0x4, s7;
	v56 =	vld [tilespmem:s25+$0xFFFFFFA0];
	v55 =	vor.u32 s11, v1;
	v3 =	vmul.f32 $1.000000000e+01, v14;
	[tilespmem:v49+s14+$0x0] =	vst.idx.msk $0xffff, v2  }
0xed: {  	v58 =	vld [tilespmem:s25+$0xFFFFFFC0];
	v57 =	vor.u32 s23, v1;
	s6 =	sadd.s32 $0x5, s7;
	v2 =	vmul.f32 $1.000000000e+01, v50;
	[tilespmem:v15+s14+$0x0] =	vst.idx.msk $0xffff, v4  }
0xee: {  	v60 =	vld [tilespmem:s25+$0xFFFFFFE0];
	s8 =	sadd.s32 $0x6, s7;
	v59 =	vor.u32 s6, v1;
	v8 =	vmul.f32 $1.000000000e+01, v28;
	[tilespmem:v51+s14+$0x0] =	vst.idx.msk $0xffff, v3  }
0xef: {  	v17 =	vld [tilespmem:s25+$0x20];
	s10 =	sadd.s32 $0x7, s7;
	v61 =	vor.u32 s8, v1;
	v3 =	vmul.f32 $1.000000000e+01, v52;
	[tilespmem:v53+s14+$0x0] =	vst.idx.msk $0xffff, v2  }
0xf0: {  	v16 =	vld [tilespmem:s25+$0x0];
	v63 =	vor.u32 s10, v1;
	s8 =	sadd.s32 $0x9, s7;
	v2 =	vmul.f32 $1.000000000e+01, v54;
	[tilespmem:v33+s14+$0x0] =	vst.idx.msk $0xffff, v8  }
0xf1: {  	v22 =	vld [tilespmem:s25+$0x60];
	s11 =	sadd.s32 $0x80F, s7;
	s23 =	sadd.s32 $0x8, s7;
	v21 =	vor.u32 s8, v1;
	[tilespmem:v55+s14+$0x0] =	vst.idx.msk $0xffff, v3;
	v3 =	vmul.f32 $1.000000000e+01, v56  }
0xf2: {  	v20 =	vld [tilespmem:s25+$0x40];
	v18 =	vor.u32 s11, v1;
	v19 =	vor.u32 s23, v1;
	s11 =	sadd.s32 $0xB, s7;
	[tilespmem:v57+s14+$0x0] =	vst.idx.msk $0xffff, v2;
	v2 =	vmul.f32 $1.000000000e+01, v58  }
0xf3: {  	v25 =	vld [tilespmem:s25+$0xA0];
	s10 =	sadd.s32 $0xA, s7;
	v24 =	vor.u32 s11, v1;
	[tilespmem:v59+s14+$0x0] =	vst.idx.msk $0xffff, v3;
	v3 =	vmul.f32 $1.000000000e+01, v60  }
0xf4: {  	v23 =	vld [tilespmem:s25+$0x80];
	s6 =	sadd.s32 $0xD, s7;
	v7 =	vmul.f32 $1.000000000e+01, v17;
	[tilespmem:v61+s14+$0x0] =	vst.idx.msk $0xffff, v2;
	v2 =	vor.u32 s10, v1  }
0xf5: {  	s23 =	sadd.s32 $0xC, s7;
	v29 =	vor.u32 s6, v1;
	v62 =	vld [tilespmem:s25+$0xF0];
	[tilespmem:v63+s14+$0x0] =	vst.idx.msk $0xffff, v3;
	v3 =	vmul.f32 $1.000000000e+01, v16  }
0xf6: {  	v27 =	vld [tilespmem:s25+$0xC0];
	v26 =	vor.u32 s23, v1;
	v31 =	vmul.f32 $1.000000000e+01, v22;
	[tilespmem:v21+s14+$0x0] =	vst.idx.msk $0xffff, v7  }
0xf7: {  	s8 =	sadd.s32 $0xE, s7;
	v30 =	vld [tilespmem:s25+$0xFFFFFF30];
	[tilespmem:v19+s14+$0x0] =	vst.idx.msk $0xffff, v3;
	v3 =	vmul.f32 $1.000000000e+01, v20  }
0xf8: {  	v32 =	vor.u32 s8, v1;
	v36 =	vmul.f32 $1.000000000e+01, v25;
	v34 =	vld [tilespmem:s25+$0xFFFFFF50];
	[tilespmem:v24+s14+$0x0] =	vst.idx.msk $0xffff, v31;
	s10 =	sadd.s32 $0x801, s7  }
0xf9: {  	s11 =	sadd.s32 $0x802, s7;
	v35 =	vld [tilespmem:s25+$0xFFFFFF70];
	[tilespmem:v2+s14+$0x0] =	vst.idx.msk $0xffff, v3;
	v2 =	vmul.f32 $1.000000000e+01, v23;
	v3 =	vor.u32 s10, v1  }
0xfa: {  	s23 =	sadd.s32 $0x803, s7;
	v37 =	vor.u32 s11, v1;
	[tilespmem:v29+s14+$0x0] =	vst.idx.msk $0xffff, v36;
	v38 =	vld [tilespmem:s25+$0xFFFFFF90];
	v10 =	vmul.f32 $1.000000000e+01, v62  }
0xfb: {  	s6 =	sadd.s32 $0x804, s7;
	v39 =	vor.u32 s23, v1;
	v40 =	vld [tilespmem:s25+$0xFFFFFFB0];
	[tilespmem:v26+s14+$0x0] =	vst.idx.msk $0xffff, v2;
	v2 =	vmul.f32 $1.000000000e+01, v27  }
0xfc: {  	v42 =	vor.u32 s6, v1;
	s8 =	sadd.s32 $0x805, s7;
	v43 =	vld [tilespmem:s25+$0xFFFFFFD0];
	v41 =	vmul.f32 $1.000000000e+01, v30;
	[tilespmem:v18+s14+$0x0] =	vst.idx.msk $0xffff, v10  }
0xfd: {  	v44 =	vor.u32 s8, v1;
	v45 =	vld [tilespmem:s25+$0xFFFFFFF0];
	s10 =	sadd.s32 $0x806, s7;
	[tilespmem:v32+s14+$0x0] =	vst.idx.msk $0xffff, v2;
	v2 =	vmul.f32 $1.000000000e+01, v34  }
0xfe: {  	s11 =	sadd.s32 $0x807, s7;
	v12 =	vld [tilespmem:s25+$0xFFFFFF10];
	v46 =	vor.u32 s10, v1;
	[tilespmem:v3+s14+$0x0] =	vst.idx.msk $0xffff, v41;
	v3 =	vmul.f32 $1.000000000e+01, v35  }
0xff: {  	s23 =	sadd.s32 $0x800, s7;
	v47 =	vor.u32 s11, v1;
	v48 =	vld [tilespmem:s25+$0x10];
	[tilespmem:v37+s14+$0x0] =	vst.idx.msk $0xffff, v2;
	v2 =	vmul.f32 $1.000000000e+01, v38  }
0x100: {  	s6 =	sadd.s32 $0x808, s7;
	v49 =	vor.u32 s23, v1;
	v50 =	vld [tilespmem:s25+$0x30];
	[tilespmem:v39+s14+$0x0] =	vst.idx.msk $0xffff, v3;
	v3 =	vmul.f32 $1.000000000e+01, v40  }
0x101: {  	s8 =	sadd.s32 $0x809, s7;
	v51 =	vor.u32 s6, v1;
	v52 =	vld [tilespmem:s25+$0x50];
	[tilespmem:v42+s14+$0x0] =	vst.idx.msk $0xffff, v2;
	v2 =	vmul.f32 $1.000000000e+01, v43  }
0x102: {  	v53 =	vor.u32 s8, v1;
	v54 =	vld [tilespmem:s25+$0x70];
	s10 =	sadd.s32 $0x80A, s7;
	[tilespmem:v44+s14+$0x0] =	vst.idx.msk $0xffff, v3;
	v3 =	vmul.f32 $1.000000000e+01, v45  }
0x103: {  	s11 =	sadd.s32 $0x80B, s7;
	v12 =	vmul.f32 $1.000000000e+01, v12;
	v55 =	vld [tilespmem:s25+$0x90];
	[tilespmem:v46+s14+$0x0] =	vst.idx.msk $0xffff, v2;
	v2 =	vor.u32 s10, v1  }
0x104: {  	s23 =	sadd.s32 $0x80C, s7;
	v56 =	vor.u32 s11, v1;
	v57 =	vld [tilespmem:s25+$0xB0];
	[tilespmem:v47+s14+$0x0] =	vst.idx.msk $0xffff, v3;
	v3 =	vmul.f32 $1.000000000e+01, v48  }
0x105: {  	s6 =	sadd.s32 $0x80D, s7;
	v59 =	vor.u32 s23, v1;
	v58 =	vmul.f32 $1.000000000e+01, v50;
	[tilespmem:v49+s14+$0x0] =	vst.idx.msk $0xffff, v12;
	v60 =	vld [tilespmem:s25+$0xD0]  }
0x106: {  	s8 =	sadd.s32 $0x80E, s7;
	v61 =	vor.u32 s6, v1;
	[tilespmem:v51+s14+$0x0] =	vst.idx.msk $0xffff, v3;
	v3 =	vmul.f32 $1.000000000e+01, v52  }
0x107: {  	v63 =	vor.u32 s8, v1;
	v62 =	vmul.f32 $1.000000000e+01, v54;
	[tilespmem:v53+s14+$0x0] =	vst.idx.msk $0xffff, v58  }
0x108: {  	[tilespmem:v2+s14+$0x0] =	vst.idx.msk $0xffff, v3;
	v2 =	vmul.f32 $1.000000000e+01, v55  }
0x109: {  	[tilespmem:v56+s14+$0x0] =	vst.idx.msk $0xffff, v62;
	s10 =	sadd.s32 s31, s3;
	v3 =	vmul.f32 $1.000000000e+01, v57  }
0x10a: {  	s4 =	sshll.u32 s10, $0x10;
	[tilespmem:v59+s14+$0x0] =	vst.idx.msk $0xffff, v2;
	v2 =	vmul.f32 $1.000000000e+01, v60  }
0x10b: {  	s4 =	sadd.s32 s28, s4;
	[tilespmem:v61+s14+$0x0] =	vst.idx.msk $0xffff, v3  }
0x10c: {  	s3 =	sadd.s32 $0x1, s3;
	s11 =	sadd.s32 s1, s4;
	s23 =	sor.u32 $0x4000, s4;
	[tilespmem:v63+s14+$0x0] =	vst.idx.msk $0xffff, v2  }
0x10d: {  	[hbm4b:s11+s2] =	stream.linear.scatter [tilespmem:s14], [sflag:$0x3], $0x400, $0x38;
	[tilespmem:$0xF200] =	vst v63  }
0x10e: {  	p0 =	sne.s32 s3, $0x5;
	s6 =	sadd.s32 s1, s23  }
0x10f: {  	[hbm4b:s6+s2] =	stream.linear.scatter [tilespmem:s15], [sflag:$0x3], $0x400, $0x38;
	[tilespmem:$0xF200] =	vst v63  }
.Ltmp2:
0x110: {  	s25 =	sor.u32 $0x8000, s4;
	(pc) =	sbr.rel @p0 .LBB2_6-.Ltmp2, $4  }
0x111: {  	s4 =	sor.u32 $0xC000, s4;
	s6 =	sadd.s32 s1, s25  }
0x112: {  	[hbm4b:s6+s2] =	stream.linear.scatter [tilespmem:s16], [sflag:$0x3], $0x400, $0x38;
	[tilespmem:$0xF200] =	vst v63  }
0x113: {  	s0 =	sadd.s32 $0x1000, s0;
	s4 =	sadd.s32 s1, s4  }
0x114: {  	[hbm4b:s4+s2] =	stream.linear.scatter [tilespmem:s17], [sflag:$0x3], $0x400, $0x38;
	[tilespmem:$0xF200] =	vst v63  }
0x115: {  	p0 =	seq.s32 s29, $0x4  }
0x116: {  	s0 =	smul.u32 @!p0 $0x1400, s29;
	_ =	sdelay $0x1  }
0x117: {  	s0 =	sshra.s32 @!p0 s0, $0x2  }
0x118: {  	s3 =	simm.s32 @!p0 $0x280;
	s4 =	simm.s32 @!p0 $0x3200;
	s0 =	sadd.s32 @!p0 $0x1E00, s0  }
0x119: {  	[tilespmem:s4], [sflag:$0x1] =	stream.indirect.gather @!p0 [hbm4b:s5+s3], $0x20, s0, s3, $0xb8;
	[tilespmem:$0xF200] =	vst v63  }
0x11a: {  	_ =	swait.ge [sflag:s18], $0x5000  }
0x11b: {  	s30 =	smul.u32 $0x5, s30;
	s31 =	simm.s32 $0x0;
	[sflag:s18] =	ssyncset.done $0x0  }
0x11c: {  	s0 =	simm.s32 $0x8300;
	s3 =	simm.s32 $0x0;
	[sflag:s18] =	ssyncadd.s32 $0xFFFFB000  }
.LBB2_10:
0x11d: {  	s4 =	sor.u32 s29, s3  }
0x11e: {  	p0 =	seq.s32 s4, $0x0  }
0x11f: {  	s4 =	simm.s32 @!p0 $0x4  }
0x120: {  	_ =	swait.ge @!p0 [sflag:s4], $0x400  }
0x121: {  	[sflag:s4] =	ssyncset.done @!p0 $0x0  }
0x122: {  	[sflag:s4] =	ssyncadd.s32 @!p0 $0xFFFFFC00  }
0x123: {  	_ =	swait.ge @!p0 [sflag:s4], $0x400  }
0x124: {  	[sflag:s4] =	ssyncset.done @!p0 $0x0  }
0x125: {  	[sflag:s4] =	ssyncadd.s32 @!p0 $0xFFFFFC00  }
0x126: {  	_ =	swait.ge @!p0 [sflag:s4], $0x400  }
0x127: {  	[sflag:s4] =	ssyncset.done @!p0 $0x0  }
0x128: {  	[sflag:s4] =	ssyncadd.s32 @!p0 $0xFFFFFC00  }
0x129: {  	_ =	swait.ge @!p0 [sflag:s4], $0x400  }
0x12a: {  	[sflag:s4] =	ssyncset.done @!p0 $0x0  }
0x12b: {  	[sflag:s4] =	ssyncadd.s32 @!p0 $0xFFFFFC00  }
0x12c: {  	v2 =	vld [tilespmem:s0+$0xE0]  }
0x12d: {  	s23 =	simm.s32 $0xF;
	v3 =	vld [tilespmem:s0+$0xFFFFFF20]  }
0x12e: {  	s6 =	simm.s32 $0x1;
	v5 =	vor.u32 s23, v1;
	v4 =	vld [tilespmem:s0+$0xFFFFFF40]  }
0x12f: {  	s25 =	simm.s32 $0x2;
	v6 =	vor.u32 s6, v1;
	v7 =	vld [tilespmem:s0+$0xFFFFFF60]  }
0x130: {  	v8 =	vor.u32 s25, v1;
	s6 =	simm.s32 $0x3;
	v9 =	vld [tilespmem:s0+$0xFFFFFF80]  }
0x131: {  	s7 =	simm.s32 $0x4;
	v10 =	vor.u32 s6, v1;
	v11 =	vld [tilespmem:s0+$0xFFFFFFA0];
	v2 =	vmul.f32 $1.000000000e+01, v2  }
0x132: {  	s8 =	simm.s32 $0x5;
	v12 =	vor.u32 s7, v1;
	v13 =	vld [tilespmem:s0+$0xFFFFFFC0];
	v3 =	vmul.f32 $1.000000000e+01, v3  }
0x133: {  	s10 =	simm.s32 $0x6;
	v14 =	vor.u32 s8, v1;
	v15 =	vld [tilespmem:s0+$0xFFFFFFE0];
	v4 =	vmul.f32 $1.000000000e+01, v4;
	[tilespmem:v5+s19+$0x0] =	vst.idx.msk $0xffff, v2  }
0x134: {  	s11 =	simm.s32 $0x7;
	[tilespmem:v6+s19+$0x0] =	vst.idx.msk $0xffff, v3;
	v2 =	vmul.f32 $1.000000000e+01, v7;
	v3 =	vor.u32 s10, v1;
	v5 =	vld [tilespmem:s0+$0xF0]  }
0x135: {  	s23 =	simm.s32 $0x80F;
	[tilespmem:v8+s19+$0x0] =	vst.idx.msk $0xffff, v4;
	v4 =	vmul.f32 $1.000000000e+01, v9;
	v6 =	vor.u32 s11, v1;
	v7 =	vld [tilespmem:s0+$0x0]  }
0x136: {  	s25 =	simm.s32 $0x8;
	v8 =	vld [tilespmem:s0+$0x20];
	v9 =	vor.u32 s23, v1;
	[tilespmem:v10+s19+$0x0] =	vst.idx.msk $0xffff, v2;
	v2 =	vmul.f32 $1.000000000e+01, v11  }
0x137: {  	s6 =	simm.s32 $0x9;
	[tilespmem:v12+s19+$0x0] =	vst.idx.msk $0xffff, v4;
	v4 =	vmul.f32 $1.000000000e+01, v13;
	v10 =	vor.u32 s25, v1;
	v11 =	vld [tilespmem:s0+$0x40]  }
0x138: {  	s7 =	simm.s32 $0xA;
	v12 =	vor.u32 s6, v1;
	v13 =	vld [tilespmem:s0+$0x60];
	[tilespmem:v14+s19+$0x0] =	vst.idx.msk $0xffff, v2;
	v2 =	vmul.f32 $1.000000000e+01, v15  }
0x139: {  	s8 =	simm.s32 $0xB;
	[tilespmem:v3+s19+$0x0] =	vst.idx.msk $0xffff, v4;
	v3 =	vor.u32 s7, v1;
	v4 =	vld [tilespmem:s0+$0x80];
	v5 =	vmul.f32 $1.000000000e+01, v5  }
0x13a: {  	s10 =	simm.s32 $0xC;
	[tilespmem:v6+s19+$0x0] =	vst.idx.msk $0xffff, v2;
	v2 =	vmul.f32 $1.000000000e+01, v7;
	v6 =	vor.u32 s8, v1;
	v7 =	vld [tilespmem:s0+$0xA0]  }
0x13b: {  	s11 =	simm.s32 $0xD;
	v14 =	vor.u32 s10, v1;
	v15 =	vld [tilespmem:s0+$0xC0];
	v8 =	vmul.f32 $1.000000000e+01, v8;
	[tilespmem:v9+s19+$0x0] =	vst.idx.msk $0xffff, v5  }
0x13c: {  	s23 =	simm.s32 $0xE;
	v5 =	vld [tilespmem:s0+$0xFFFFFF00];
	[tilespmem:v10+s19+$0x0] =	vst.idx.msk $0xffff, v2;
	v2 =	vmul.f32 $1.000000000e+01, v11;
	v9 =	vor.u32 s11, v1  }
0x13d: {  	[tilespmem:v12+s19+$0x0] =	vst.idx.msk $0xffff, v8;
	v8 =	vmul.f32 $1.000000000e+01, v13;
	v10 =	vld [tilespmem:s0+$0xFFFFFF30];
	v11 =	vor.u32 s23, v1  }
0x13e: {  	s25 =	simm.s32 $0x801;
	v12 =	vor.u32 s31, v1;
	v13 =	vld [tilespmem:s0+$0xFFFFFF50];
	[tilespmem:v3+s19+$0x0] =	vst.idx.msk $0xffff, v2;
	v2 =	vmul.f32 $1.000000000e+01, v4  }
0x13f: {  	s6 =	simm.s32 $0x802;
	v3 =	vor.u32 s25, v1;
	v4 =	vld [tilespmem:s0+$0xFFFFFF70];
	[tilespmem:v6+s19+$0x0] =	vst.idx.msk $0xffff, v8;
	v6 =	vmul.f32 $1.000000000e+01, v7  }
0x140: {  	s7 =	simm.s32 $0x803;
	v7 =	vor.u32 s6, v1;
	v8 =	vld [tilespmem:s0+$0xFFFFFF90];
	[tilespmem:v14+s19+$0x0] =	vst.idx.msk $0xffff, v2;
	v2 =	vmul.f32 $1.000000000e+01, v15  }
0x141: {  	s8 =	simm.s32 $0x804;
	v14 =	vor.u32 s7, v1;
	v15 =	vld [tilespmem:s0+$0xFFFFFFB0];
	v5 =	vmul.f32 $1.000000000e+01, v5;
	[tilespmem:v9+s19+$0x0] =	vst.idx.msk $0xffff, v6  }
0x142: {  	s10 =	simm.s32 $0x805;
	v6 =	vmul.f32 $1.000000000e+01, v10;
	v9 =	vor.u32 s8, v1;
	v10 =	vld [tilespmem:s0+$0xFFFFFFD0];
	[tilespmem:v11+s19+$0x0] =	vst.idx.msk $0xffff, v2  }
0x143: {  	s11 =	simm.s32 $0x806;
	v2 =	vmul.f32 $1.000000000e+01, v13;
	v11 =	vld [tilespmem:s0+$0xFFFFFFF0];
	[tilespmem:v12+s19+$0x0] =	vst.idx.msk $0xffff, v5;
	v5 =	vor.u32 s10, v1  }
0x144: {  	s23 =	simm.s32 $0x807;
	[tilespmem:v3+s19+$0x0] =	vst.idx.msk $0xffff, v6;
	v3 =	vmul.f32 $1.000000000e+01, v4;
	v4 =	vor.u32 s11, v1;
	v12 =	vld [tilespmem:s0+$0xFFFFFF10]  }
0x145: {  	s25 =	simm.s32 $0x800;
	v6 =	vor.u32 s23, v1;
	[tilespmem:v7+s19+$0x0] =	vst.idx.msk $0xffff, v2;
	v2 =	vmul.f32 $1.000000000e+01, v8;
	v7 =	vld [tilespmem:s0+$0x10]  }
0x146: {  	s6 =	simm.s32 $0x808;
	v13 =	vld [tilespmem:s0+$0x30];
	v8 =	vor.u32 s25, v1;
	[tilespmem:v14+s19+$0x0] =	vst.idx.msk $0xffff, v3;
	v3 =	vmul.f32 $1.000000000e+01, v15  }
0x147: {  	s7 =	simm.s32 $0x809;
	v14 =	vld [tilespmem:s0+$0x50];
	[tilespmem:v9+s19+$0x0] =	vst.idx.msk $0xffff, v2;
	v2 =	vmul.f32 $1.000000000e+01, v10;
	v9 =	vor.u32 s6, v1  }
0x148: {  	s8 =	simm.s32 $0x80A;
	[tilespmem:v5+s19+$0x0] =	vst.idx.msk $0xffff, v3;
	v3 =	vmul.f32 $1.000000000e+01, v11;
	v5 =	vld [tilespmem:s0+$0x70];
	v11 =	vor.u32 s7, v1  }
0x149: {  	s10 =	simm.s32 $0x80B;
	v10 =	vor.u32 s8, v1;
	[tilespmem:v4+s19+$0x0] =	vst.idx.msk $0xffff, v2;
	v2 =	vld [tilespmem:s0+$0x90];
	v12 =	vmul.f32 $1.000000000e+01, v12  }
0x14a: {  	s11 =	simm.s32 $0x80C;
	v15 =	vmul.f32 $1.000000000e+01, v7;
	[tilespmem:v6+s19+$0x0] =	vst.idx.msk $0xffff, v3;
	v3 =	vld [tilespmem:s0+$0xB0];
	v6 =	vor.u32 s10, v1  }
0x14b: {  	s23 =	simm.s32 $0x80D;
	s25 =	sadd.s32 $0x200, s0;
	v7 =	vld [tilespmem:s0+$0xD0];
	[tilespmem:v8+s19+$0x0] =	vst.idx.msk $0xffff, v12;
	v12 =	vmul.f32 $1.000000000e+01, v13;
	v8 =	vor.u32 s11, v1  }
0x14c: {  	s4 =	simm.s32 $0x80E;
	s7 =	simm.s32 $0x10;
	v4 =	vld [tilespmem:s25+$0xE0];
	s10 =	simm.s32 $0x20;
	[tilespmem:v9+s19+$0x0] =	vst.idx.msk $0xffff, v15;
	v13 =	vmul.f32 $1.000000000e+01, v14;
	v9 =	vor.u32 s23, v1  }
.LBB2_11:
0x14d: {  	p0 =	slt.u32 s10, $0x70;
	v14 =	vld [tilespmem:s25+$0xFFFFFF20];
	s6 =	sadd.s32 $0xF, s7;
	[tilespmem:v11+s19+$0x0] =	vst.idx.msk $0xffff, v12;
	v5 =	vmul.f32 $1.000000000e+01, v5;
	v11 =	vor.u32 s4, v1  }
0x14e: {  	s4 =	sadd.s32 $0x1, s7;
	v12 =	vld [tilespmem:s25+$0xFFFFFF40];
	v15 =	vor.u32 s6, v1;
	[tilespmem:v10+s19+$0x0] =	vst.idx.msk $0xffff, v13;
	v2 =	vmul.f32 $1.000000000e+01, v2  }
0x14f: {  	v10 =	vor.u32 s4, v1;
	s4 =	sadd.s32 $0x2, s7;
	v13 =	vld [tilespmem:s25+$0xFFFFFF60];
	[tilespmem:v6+s19+$0x0] =	vst.idx.msk $0xffff, v5;
	v3 =	vmul.f32 $1.000000000e+01, v3  }
0x150: {  	v5 =	vor.u32 s4, v1;
	s4 =	sadd.s32 $0x3, s7;
	v6 =	vld [tilespmem:s25+$0xFFFFFF80];
	[tilespmem:v8+s19+$0x0] =	vst.idx.msk $0xffff, v2;
	v2 =	vmul.f32 $1.000000000e+01, v7  }
0x151: {  	v7 =	vor.u32 s4, v1;
	s4 =	sadd.s32 $0x4, s7;
	v8 =	vld [tilespmem:s25+$0xFFFFFFA0];
	v4 =	vmul.f32 $1.000000000e+01, v4;
	[tilespmem:v9+s19+$0x0] =	vst.idx.msk $0xffff, v3  }
0x152: {  	v9 =	vor.u32 s4, v1;
	s4 =	sadd.s32 $0x5, s7;
	v3 =	vmul.f32 $1.000000000e+01, v14;
	v14 =	vld [tilespmem:s25+$0xFFFFFFC0];
	[tilespmem:v11+s19+$0x0] =	vst.idx.msk $0xffff, v2  }
0x153: {  	v11 =	vor.u32 s4, v1;
	s4 =	sadd.s32 $0x6, s7;
	v2 =	vmul.f32 $1.000000000e+01, v12;
	v12 =	vld [tilespmem:s25+$0xFFFFFFE0];
	[tilespmem:v15+s19+$0x0] =	vst.idx.msk $0xffff, v4  }
0x154: {  	v4 =	vor.u32 s4, v1;
	s4 =	sadd.s32 $0x7, s7;
	[tilespmem:v10+s19+$0x0] =	vst.idx.msk $0xffff, v3;
	v3 =	vmul.f32 $1.000000000e+01, v13;
	v10 =	vld [tilespmem:s25+$0xF0]  }
0x155: {  	[tilespmem:v5+s19+$0x0] =	vst.idx.msk $0xffff, v2;
	v2 =	vmul.f32 $1.000000000e+01, v6;
	v5 =	vor.u32 s4, v1;
	v6 =	vld [tilespmem:s25+$0x0];
	s4 =	sadd.s32 $0x80F, s7  }
0x156: {  	s6 =	sadd.s32 $0x8, s7;
	[tilespmem:v7+s19+$0x0] =	vst.idx.msk $0xffff, v3;
	v3 =	vmul.f32 $1.000000000e+01, v8;
	v7 =	vld [tilespmem:s25+$0x20];
	v8 =	vor.u32 s4, v1  }
0x157: {  	s4 =	sadd.s32 $0x9, s7;
	[tilespmem:v9+s19+$0x0] =	vst.idx.msk $0xffff, v2;
	v2 =	vmul.f32 $1.000000000e+01, v14;
	v9 =	vor.u32 s6, v1;
	v13 =	vld [tilespmem:s25+$0x40]  }
0x158: {  	[tilespmem:v11+s19+$0x0] =	vst.idx.msk $0xffff, v3;
	v3 =	vmul.f32 $1.000000000e+01, v12;
	v11 =	vor.u32 s4, v1;
	s4 =	sadd.s32 $0xA, s7;
	v12 =	vld [tilespmem:s25+$0x60]  }
0x159: {  	[tilespmem:v4+s19+$0x0] =	vst.idx.msk $0xffff, v2;
	v2 =	vor.u32 s4, v1;
	s4 =	sadd.s32 $0xB, s7;
	v4 =	vld [tilespmem:s25+$0x80];
	v10 =	vmul.f32 $1.000000000e+01, v10  }
0x15a: {  	[tilespmem:v5+s19+$0x0] =	vst.idx.msk $0xffff, v3;
	v3 =	vmul.f32 $1.000000000e+01, v6;
	v5 =	vor.u32 s4, v1;
	s4 =	sadd.s32 $0xC, s7;
	v6 =	vld [tilespmem:s25+$0xA0]  }
0x15b: {  	v7 =	vmul.f32 $1.000000000e+01, v7;
	v14 =	vor.u32 s4, v1;
	s4 =	sadd.s32 $0xD, s7;
	v15 =	vld [tilespmem:s25+$0xC0];
	[tilespmem:v8+s19+$0x0] =	vst.idx.msk $0xffff, v10  }
0x15c: {  	v8 =	vld [tilespmem:s25+$0xFFFFFF00];
	[tilespmem:v9+s19+$0x0] =	vst.idx.msk $0xffff, v3;
	v3 =	vmul.f32 $1.000000000e+01, v13;
	v9 =	vor.u32 s4, v1;
	s4 =	sadd.s32 $0xE, s7  }
0x15d: {  	v10 =	vld [tilespmem:s25+$0xFFFFFF30];
	[tilespmem:v11+s19+$0x0] =	vst.idx.msk $0xffff, v7;
	v7 =	vmul.f32 $1.000000000e+01, v12;
	v11 =	vor.u32 s4, v1  }
0x15e: {  	v12 =	vor.u32 s7, v1;
	s4 =	sadd.s32 $0x801, s7;
	v13 =	vld [tilespmem:s25+$0xFFFFFF50];
	[tilespmem:v2+s19+$0x0] =	vst.idx.msk $0xffff, v3;
	v2 =	vmul.f32 $1.000000000e+01, v4  }
0x15f: {  	v3 =	vor.u32 s4, v1;
	s4 =	sadd.s32 $0x802, s7;
	v4 =	vld [tilespmem:s25+$0xFFFFFF70];
	[tilespmem:v5+s19+$0x0] =	vst.idx.msk $0xffff, v7;
	v5 =	vmul.f32 $1.000000000e+01, v6  }
0x160: {  	v6 =	vor.u32 s4, v1;
	s4 =	sadd.s32 $0x803, s7;
	v7 =	vld [tilespmem:s25+$0xFFFFFF90];
	[tilespmem:v14+s19+$0x0] =	vst.idx.msk $0xffff, v2;
	v2 =	vmul.f32 $1.000000000e+01, v15  }
0x161: {  	v14 =	vor.u32 s4, v1;
	s4 =	sadd.s32 $0x804, s7;
	v8 =	vmul.f32 $1.000000000e+01, v8;
	v15 =	vld [tilespmem:s25+$0xFFFFFFB0];
	[tilespmem:v9+s19+$0x0] =	vst.idx.msk $0xffff, v5  }
0x162: {  	v9 =	vor.u32 s4, v1;
	s4 =	sadd.s32 $0x805, s7;
	v5 =	vmul.f32 $1.000000000e+01, v10;
	v10 =	vld [tilespmem:s25+$0xFFFFFFD0];
	[tilespmem:v11+s19+$0x0] =	vst.idx.msk $0xffff, v2  }
0x163: {  	[tilespmem:v12+s19+$0x0] =	vst.idx.msk $0xffff, v8;
	v2 =	vmul.f32 $1.000000000e+01, v13;
	v8 =	vor.u32 s4, v1;
	s4 =	sadd.s32 $0x806, s7;
	v11 =	vld [tilespmem:s25+$0xFFFFFFF0]  }
0x164: {  	v12 =	vld [tilespmem:s25+$0xFFFFFF10];
	[tilespmem:v3+s19+$0x0] =	vst.idx.msk $0xffff, v5;
	v3 =	vmul.f32 $1.000000000e+01, v4;
	v4 =	vor.u32 s4, v1;
	s4 =	sadd.s32 $0x807, s7  }
0x165: {  	s6 =	sadd.s32 $0x800, s7;
	[tilespmem:v6+s19+$0x0] =	vst.idx.msk $0xffff, v2;
	v2 =	vmul.f32 $1.000000000e+01, v7;
	v6 =	vor.u32 s4, v1;
	v7 =	vld [tilespmem:s25+$0x10]  }
0x166: {  	v13 =	vor.u32 s6, v1;
	s4 =	sadd.s32 $0x808, s7;
	[tilespmem:v14+s19+$0x0] =	vst.idx.msk $0xffff, v3;
	v3 =	vmul.f32 $1.000000000e+01, v15;
	v14 =	vld [tilespmem:s25+$0x30]  }
0x167: {  	[tilespmem:v9+s19+$0x0] =	vst.idx.msk $0xffff, v2;
	v2 =	vmul.f32 $1.000000000e+01, v10;
	v9 =	vor.u32 s4, v1;
	s4 =	sadd.s32 $0x809, s7;
	v15 =	vld [tilespmem:s25+$0x50]  }
.Ltmp3:
0x168: {  	[tilespmem:v8+s19+$0x0] =	vst.idx.msk $0xffff, v3;
	v3 =	vmul.f32 $1.000000000e+01, v11;
	v11 =	vor.u32 s4, v1;
	s4 =	sadd.s32 $0x80A, s7;
	v5 =	vld [tilespmem:s25+$0x70];
	(pc) =	sbr.rel @p0 .LBB2_11-.Ltmp3, $4  }
0x169: {  	v8 =	vmul.f32 $1.000000000e+01, v12;
	[tilespmem:v4+s19+$0x0] =	vst.idx.msk $0xffff, v2;
	v10 =	vor.u32 s4, v1;
	s4 =	sadd.s32 $0x80B, s7;
	v2 =	vld [tilespmem:s25+$0x90]  }
0x16a: {  	[tilespmem:v6+s19+$0x0] =	vst.idx.msk $0xffff, v3;
	v16 =	vmul.f32 $1.000000000e+01, v7;
	v6 =	vor.u32 s4, v1;
	s4 =	sadd.s32 $0x80C, s7;
	v3 =	vld [tilespmem:s25+$0xB0]  }
0x16b: {  	[tilespmem:v13+s19+$0x0] =	vst.idx.msk $0xffff, v8;
	v12 =	vmul.f32 $1.000000000e+01, v14;
	v8 =	vor.u32 s4, v1;
	s4 =	sadd.s32 $0x80D, s7;
	v7 =	vld [tilespmem:s25+$0xD0];
	s25 =	sadd.s32 $0x200, s25  }
0x16c: {  	v4 =	vld [tilespmem:s25+$0xE0];
	[tilespmem:v9+s19+$0x0] =	vst.idx.msk $0xffff, v16;
	v13 =	vmul.f32 $1.000000000e+01, v15;
	v9 =	vor.u32 s4, v1;
	s4 =	sadd.s32 $0x80E, s7;
	s7 =	smov.u32 s10;
	s10 =	sadd.s32 $0x10, s10  }
0x16d: {  	_ =	sdelay $0x3  }
0x16e: {  	v14 =	vld [tilespmem:s25+$0xFFFFFF20];
	s6 =	sadd.s32 $0xF, s7;
	[tilespmem:v11+s19+$0x0] =	vst.idx.msk $0xffff, v12;
	v5 =	vmul.f32 $1.000000000e+01, v5;
	v49 =	vor.u32 s4, v1  }
0x16f: {  	s8 =	sadd.s32 $0x1, s7;
	v50 =	vld [tilespmem:s25+$0xFFFFFF40];
	v15 =	vor.u32 s6, v1;
	[tilespmem:v10+s19+$0x0] =	vst.idx.msk $0xffff, v13;
	v2 =	vmul.f32 $1.000000000e+01, v2  }
0x170: {  	s10 =	sadd.s32 $0x2, s7;
	v28 =	vld [tilespmem:s25+$0xFFFFFF00];
	v51 =	vor.u32 s8, v1;
	[tilespmem:v6+s19+$0x0] =	vst.idx.msk $0xffff, v5;
	v3 =	vmul.f32 $1.000000000e+01, v3  }
0x171: {  	v52 =	vld [tilespmem:s25+$0xFFFFFF60];
	v53 =	vor.u32 s10, v1;
	[tilespmem:v8+s19+$0x0] =	vst.idx.msk $0xffff, v2;
	v2 =	vmul.f32 $1.000000000e+01, v7  }
0x172: {  	s11 =	sadd.s32 $0x3, s7;
	v54 =	vld [tilespmem:s25+$0xFFFFFF80];
	v33 =	vor.u32 s7, v1;
	v4 =	vmul.f32 $1.000000000e+01, v4;
	[tilespmem:v9+s19+$0x0] =	vst.idx.msk $0xffff, v3  }
0x173: {  	s23 =	sadd.s32 $0x4, s7;
	v56 =	vld [tilespmem:s25+$0xFFFFFFA0];
	v55 =	vor.u32 s11, v1;
	v3 =	vmul.f32 $1.000000000e+01, v14;
	[tilespmem:v49+s19+$0x0] =	vst.idx.msk $0xffff, v2  }
0x174: {  	v58 =	vld [tilespmem:s25+$0xFFFFFFC0];
	v57 =	vor.u32 s23, v1;
	s6 =	sadd.s32 $0x5, s7;
	v2 =	vmul.f32 $1.000000000e+01, v50;
	[tilespmem:v15+s19+$0x0] =	vst.idx.msk $0xffff, v4  }
0x175: {  	v60 =	vld [tilespmem:s25+$0xFFFFFFE0];
	s8 =	sadd.s32 $0x6, s7;
	v59 =	vor.u32 s6, v1;
	v8 =	vmul.f32 $1.000000000e+01, v28;
	[tilespmem:v51+s19+$0x0] =	vst.idx.msk $0xffff, v3  }
0x176: {  	v17 =	vld [tilespmem:s25+$0x20];
	s10 =	sadd.s32 $0x7, s7;
	v61 =	vor.u32 s8, v1;
	v3 =	vmul.f32 $1.000000000e+01, v52;
	[tilespmem:v53+s19+$0x0] =	vst.idx.msk $0xffff, v2  }
0x177: {  	v16 =	vld [tilespmem:s25+$0x0];
	v63 =	vor.u32 s10, v1;
	s8 =	sadd.s32 $0x9, s7;
	v2 =	vmul.f32 $1.000000000e+01, v54;
	[tilespmem:v33+s19+$0x0] =	vst.idx.msk $0xffff, v8  }
0x178: {  	v22 =	vld [tilespmem:s25+$0x60];
	s11 =	sadd.s32 $0x80F, s7;
	s23 =	sadd.s32 $0x8, s7;
	v21 =	vor.u32 s8, v1;
	[tilespmem:v55+s19+$0x0] =	vst.idx.msk $0xffff, v3;
	v3 =	vmul.f32 $1.000000000e+01, v56  }
0x179: {  	v20 =	vld [tilespmem:s25+$0x40];
	v18 =	vor.u32 s11, v1;
	v19 =	vor.u32 s23, v1;
	s11 =	sadd.s32 $0xB, s7;
	[tilespmem:v57+s19+$0x0] =	vst.idx.msk $0xffff, v2;
	v2 =	vmul.f32 $1.000000000e+01, v58  }
0x17a: {  	v25 =	vld [tilespmem:s25+$0xA0];
	s10 =	sadd.s32 $0xA, s7;
	v24 =	vor.u32 s11, v1;
	[tilespmem:v59+s19+$0x0] =	vst.idx.msk $0xffff, v3;
	v3 =	vmul.f32 $1.000000000e+01, v60  }
0x17b: {  	v23 =	vld [tilespmem:s25+$0x80];
	s6 =	sadd.s32 $0xD, s7;
	v7 =	vmul.f32 $1.000000000e+01, v17;
	[tilespmem:v61+s19+$0x0] =	vst.idx.msk $0xffff, v2;
	v2 =	vor.u32 s10, v1  }
0x17c: {  	s23 =	sadd.s32 $0xC, s7;
	v29 =	vor.u32 s6, v1;
	v62 =	vld [tilespmem:s25+$0xF0];
	[tilespmem:v63+s19+$0x0] =	vst.idx.msk $0xffff, v3;
	v3 =	vmul.f32 $1.000000000e+01, v16  }
0x17d: {  	v27 =	vld [tilespmem:s25+$0xC0];
	v26 =	vor.u32 s23, v1;
	v31 =	vmul.f32 $1.000000000e+01, v22;
	[tilespmem:v21+s19+$0x0] =	vst.idx.msk $0xffff, v7  }
0x17e: {  	s8 =	sadd.s32 $0xE, s7;
	v30 =	vld [tilespmem:s25+$0xFFFFFF30];
	[tilespmem:v19+s19+$0x0] =	vst.idx.msk $0xffff, v3;
	v3 =	vmul.f32 $1.000000000e+01, v20  }
0x17f: {  	v32 =	vor.u32 s8, v1;
	v36 =	vmul.f32 $1.000000000e+01, v25;
	v34 =	vld [tilespmem:s25+$0xFFFFFF50];
	[tilespmem:v24+s19+$0x0] =	vst.idx.msk $0xffff, v31;
	s10 =	sadd.s32 $0x801, s7  }
0x180: {  	s11 =	sadd.s32 $0x802, s7;
	v35 =	vld [tilespmem:s25+$0xFFFFFF70];
	[tilespmem:v2+s19+$0x0] =	vst.idx.msk $0xffff, v3;
	v2 =	vmul.f32 $1.000000000e+01, v23;
	v3 =	vor.u32 s10, v1  }
0x181: {  	s23 =	sadd.s32 $0x803, s7;
	v37 =	vor.u32 s11, v1;
	[tilespmem:v29+s19+$0x0] =	vst.idx.msk $0xffff, v36;
	v38 =	vld [tilespmem:s25+$0xFFFFFF90];
	v10 =	vmul.f32 $1.000000000e+01, v62  }
0x182: {  	s6 =	sadd.s32 $0x804, s7;
	v39 =	vor.u32 s23, v1;
	v40 =	vld [tilespmem:s25+$0xFFFFFFB0];
	[tilespmem:v26+s19+$0x0] =	vst.idx.msk $0xffff, v2;
	v2 =	vmul.f32 $1.000000000e+01, v27  }
0x183: {  	v42 =	vor.u32 s6, v1;
	s8 =	sadd.s32 $0x805, s7;
	v43 =	vld [tilespmem:s25+$0xFFFFFFD0];
	v41 =	vmul.f32 $1.000000000e+01, v30;
	[tilespmem:v18+s19+$0x0] =	vst.idx.msk $0xffff, v10  }
0x184: {  	v44 =	vor.u32 s8, v1;
	v45 =	vld [tilespmem:s25+$0xFFFFFFF0];
	s10 =	sadd.s32 $0x806, s7;
	[tilespmem:v32+s19+$0x0] =	vst.idx.msk $0xffff, v2;
	v2 =	vmul.f32 $1.000000000e+01, v34  }
0x185: {  	s11 =	sadd.s32 $0x807, s7;
	v12 =	vld [tilespmem:s25+$0xFFFFFF10];
	v46 =	vor.u32 s10, v1;
	[tilespmem:v3+s19+$0x0] =	vst.idx.msk $0xffff, v41;
	v3 =	vmul.f32 $1.000000000e+01, v35  }
0x186: {  	s23 =	sadd.s32 $0x800, s7;
	v47 =	vor.u32 s11, v1;
	v48 =	vld [tilespmem:s25+$0x10];
	[tilespmem:v37+s19+$0x0] =	vst.idx.msk $0xffff, v2;
	v2 =	vmul.f32 $1.000000000e+01, v38  }
0x187: {  	s6 =	sadd.s32 $0x808, s7;
	v49 =	vor.u32 s23, v1;
	v50 =	vld [tilespmem:s25+$0x30];
	[tilespmem:v39+s19+$0x0] =	vst.idx.msk $0xffff, v3;
	v3 =	vmul.f32 $1.000000000e+01, v40  }
0x188: {  	s8 =	sadd.s32 $0x809, s7;
	v51 =	vor.u32 s6, v1;
	v52 =	vld [tilespmem:s25+$0x50];
	[tilespmem:v42+s19+$0x0] =	vst.idx.msk $0xffff, v2;
	v2 =	vmul.f32 $1.000000000e+01, v43  }
0x189: {  	v53 =	vor.u32 s8, v1;
	v54 =	vld [tilespmem:s25+$0x70];
	s10 =	sadd.s32 $0x80A, s7;
	[tilespmem:v44+s19+$0x0] =	vst.idx.msk $0xffff, v3;
	v3 =	vmul.f32 $1.000000000e+01, v45  }
0x18a: {  	s11 =	sadd.s32 $0x80B, s7;
	v12 =	vmul.f32 $1.000000000e+01, v12;
	v55 =	vld [tilespmem:s25+$0x90];
	[tilespmem:v46+s19+$0x0] =	vst.idx.msk $0xffff, v2;
	v2 =	vor.u32 s10, v1  }
0x18b: {  	s23 =	sadd.s32 $0x80C, s7;
	v56 =	vor.u32 s11, v1;
	v57 =	vld [tilespmem:s25+$0xB0];
	[tilespmem:v47+s19+$0x0] =	vst.idx.msk $0xffff, v3;
	v3 =	vmul.f32 $1.000000000e+01, v48  }
0x18c: {  	s6 =	sadd.s32 $0x80D, s7;
	v59 =	vor.u32 s23, v1;
	v58 =	vmul.f32 $1.000000000e+01, v50;
	[tilespmem:v49+s19+$0x0] =	vst.idx.msk $0xffff, v12;
	v60 =	vld [tilespmem:s25+$0xD0]  }
0x18d: {  	s8 =	sadd.s32 $0x80E, s7;
	v61 =	vor.u32 s6, v1;
	[tilespmem:v51+s19+$0x0] =	vst.idx.msk $0xffff, v3;
	v3 =	vmul.f32 $1.000000000e+01, v52  }
0x18e: {  	v63 =	vor.u32 s8, v1;
	v62 =	vmul.f32 $1.000000000e+01, v54;
	[tilespmem:v53+s19+$0x0] =	vst.idx.msk $0xffff, v58  }
0x18f: {  	[tilespmem:v2+s19+$0x0] =	vst.idx.msk $0xffff, v3;
	v2 =	vmul.f32 $1.000000000e+01, v55  }
0x190: {  	[tilespmem:v56+s19+$0x0] =	vst.idx.msk $0xffff, v62;
	s10 =	sadd.s32 s30, s3;
	v3 =	vmul.f32 $1.000000000e+01, v57  }
0x191: {  	s4 =	sshll.u32 s10, $0x10;
	[tilespmem:v59+s19+$0x0] =	vst.idx.msk $0xffff, v2;
	v2 =	vmul.f32 $1.000000000e+01, v60  }
0x192: {  	s4 =	sadd.s32 s28, s4;
	[tilespmem:v61+s19+$0x0] =	vst.idx.msk $0xffff, v3  }
0x193: {  	s3 =	sadd.s32 $0x1, s3;
	s11 =	sadd.s32 s1, s4;
	s23 =	sor.u32 $0x4000, s4;
	[tilespmem:v63+s19+$0x0] =	vst.idx.msk $0xffff, v2  }
0x194: {  	[hbm4b:s11+s2] =	stream.linear.scatter [tilespmem:s19], [sflag:$0x4], $0x400, $0x38;
	[tilespmem:$0xF200] =	vst v63  }
0x195: {  	p0 =	sne.s32 s3, $0x5;
	s6 =	sadd.s32 s1, s23  }
0x196: {  	[hbm4b:s6+s2] =	stream.linear.scatter [tilespmem:s20], [sflag:$0x4], $0x400, $0x38;
	[tilespmem:$0xF200] =	vst v63  }
.Ltmp4:
0x197: {  	s25 =	sor.u32 $0x8000, s4;
	(pc) =	sbr.rel @p0 .LBB2_10-.Ltmp4, $4  }
0x198: {  	s4 =	sor.u32 $0xC000, s4;
	s6 =	sadd.s32 s1, s25  }
0x199: {  	[hbm4b:s6+s2] =	stream.linear.scatter [tilespmem:s21], [sflag:$0x4], $0x400, $0x38;
	[tilespmem:$0xF200] =	vst v63  }
0x19a: {  	s0 =	sadd.s32 $0x1000, s0;
	s4 =	sadd.s32 s1, s4  }
0x19b: {  	[hbm4b:s4+s2] =	stream.linear.scatter [tilespmem:s22], [sflag:$0x4], $0x400, $0x38;
	[tilespmem:$0xF200] =	vst v63  }
0x19c: {  	s29 =	sadd.s32 $0x1, s29  }
0x19d: {  	p0 =	sne.s32 s29, $0x5  }
.Ltmp5:
0x19e: {  	_ = 	snop;
	(pc) =	sbr.rel @p0 .LBB2_5-.Ltmp5, $1  }
0x19f: {  	_ =	sdelay $0x3  }
0x1a0: {  	s0 =	simm.s32 $0x3  }
0x1a1: {  	_ =	swait.ge [sflag:s0], $0x400  }
0x1a2: {  	[sflag:s0] =	ssyncset.done $0x0  }
0x1a3: {  	[sflag:s0] =	ssyncadd.s32 $0xFFFFFC00  }
0x1a4: {  	_ =	swait.ge [sflag:s0], $0x400  }
0x1a5: {  	[sflag:s0] =	ssyncset.done $0x0  }
0x1a6: {  	[sflag:s0] =	ssyncadd.s32 $0xFFFFFC00  }
0x1a7: {  	_ =	swait.ge [sflag:s0], $0x400  }
0x1a8: {  	[sflag:s0] =	ssyncset.done $0x0  }
0x1a9: {  	[sflag:s0] =	ssyncadd.s32 $0xFFFFFC00  }
0x1aa: {  	_ =	swait.ge [sflag:s0], $0x400  }
0x1ab: {  	[sflag:s0] =	ssyncset.done $0x0  }
0x1ac: {  	[sflag:s0] =	ssyncadd.s32 $0xFFFFFC00  }
0x1ad: {  	_ =	swait.ge [sflag:s24], $0x400  }
0x1ae: {  	[sflag:s24] =	ssyncset.done $0x0  }
0x1af: {  	[sflag:s24] =	ssyncadd.s32 $0xFFFFFC00  }
0x1b0: {  	_ =	swait.ge [sflag:s24], $0x400  }
0x1b1: {  	[sflag:s24] =	ssyncset.done $0x0  }
0x1b2: {  	s26 =	sadd.s32 $0x1, s26;
	[sflag:s24] =	ssyncadd.s32 $0xFFFFFC00  }
0x1b3: {  	p0 =	sne.s32 s26, $0x4;
	_ =	swait.ge [sflag:s24], $0x400  }
.Ltmp6:
0x1b4: {  	[sflag:s24] =	ssyncset.done $0x0;
	(pc) =	sbr.rel @p0 .LBB2_2-.Ltmp6, $4  }
0x1b5: {  	[sflag:s24] =	ssyncadd.s32 $0xFFFFFC00  }
0x1b6: {  	_ =	swait.ge [sflag:s24], $0x400  }
0x1b7: {  	[sflag:s24] =	ssyncset.done $0x0  }
0x1b8: {  	[sflag:s24] =	ssyncadd.s32 $0xFFFFFC00  }
0x1b9: {  	s3 =	rddreg [dreg:$0x6]  }
0x1ba: {  	s0 =	rddreg [dreg:$0x5];
	s3 =	sadd.s32 $0x1, s3  }
0x1bb: {  	p0 =	sne.s32 s3, s0  }
.Ltmp7:
0x1bc: {  	_ = 	snop;
	(pc) =	sbr.rel @p0 .LBB2_1-.Ltmp7, $1  }
0x1bd: {  	_ =	sdelay $0x3  }
0x1be: {  	_ =	sfence.sel $0x180000  }
0x1bf: {  	[bflag:$0x0] =	sbarrier.arrive $0xFFFF  }
0x1c0: {  	_ =	strace $0x90000047  }
0x1c1: {  	s0 =	stileid.u32;
	[bflag:$0x2] =	sbarrier.arrive $0xFFFF  }
0x1c2: {  	p0 =	sne.s32 s0, $0x0;
	s0 =	rddreg [dreg:$0x2]  }
0x1c3: {  	s0 =	sadd.s32 @!p0 $0x100000, s0  }
0x1c4: {  	[sflag:s0] =	ssyncadd.tile.s32 @!p0 $0x1;
	_ =	shalt  }
.Lfunc_end2:
_tile_overlayer_lowered:
.L_overlay_start_2:
0x1c5: {  	(tag) =	ssettag $0x2  }
0x1c6: {  	s0 =	rddreg [dreg:$0x0];
	s2 =	stileid.u32  }
0x1c7: {  	s1 =	rddreg [dreg:$0x1];
	p0 =	sne.s32 s2, $0x0  }
0x1c8: {  	s3 =	rddreg [dreg:$0x2];
	[bflag:$0x3] =	sbarrier.arrive $0xFFFF;
	s2 =	simm.s32 @!p0 $0x1C05  }
0x1c9: {  	[timem:s3], [sflag:s2] =	dma.local @!p0 [hbm:s0], s1  }
0x1ca: {  	s0 =	simm.s32 @!p0 $0x5  }
0x1cb: {  	_ =	swait.ge @!p0 [sflag:s0], s1  }
0x1cc: {  	s1 =	ssub.s32 @!p0 $0x0, s1;
	[sflag:s0] =	ssyncset.done @!p0 $0x0  }
0x1cd: {  	[sflag:s0] =	ssyncadd.s32 @!p0 s1  }
0x1ce: {  	[bflag:$0x3] =	sbarrier.arrive $0xFFFF  }
0x1cf: {  	_ =	shalt  }

</sc_bundles>
